<compile_context>
chip_gen: v7x
topology: tpu7x:2x2x1
jax: 0.10.2.dev20260603
libtpu: 0.0.44.dev20260713+nightly
codegen_flags: <defaults>
</compile_context>

<pallas_src>
import dataclasses
import functools

import jax
import jax.numpy as jnp
from jax import lax
from jax.experimental import pallas as pl
from jax.experimental.pallas import tpu as pltpu
from jax.experimental.pallas import tpu_sc as plsc

B, M, N, K = 4, 1024, 4096, 32
CF = 64
GPB = 8
MPG = M // GPB
CPG = CF // GPB


_NCHUNK = N // 16
_INF = float("inf")


def _merge_top32(d0, i0, d1, i1, cd, ci):
    rb = lax.rev(cd, (0,))
    rbi = lax.rev(ci, (0,))
    m = d1 <= rb
    l1 = jnp.where(m, d1, rb)
    l1i = jnp.where(m, i1, rbi)
    m2 = d0 <= l1
    p = jnp.where(m2, d0, l1)
    pi = jnp.where(m2, i0, l1i)
    q = jnp.where(m2, l1, d0)
    qi = jnp.where(m2, l1i, i0)
    p_s, pi_s = plsc.sort_key_val(p, pi)
    q_s, qi_s = plsc.sort_key_val(q, qi)
    return p_s, pi_s, q_s, qi_s


def _round_bf16(x):
    bits = plsc.bitcast(x, jnp.int32)
    lsb = lax.shift_right_logical(bits, 16) & 1
    rounded = (bits + 0x7FFF + lsb) & jnp.int32(-65536)
    return plsc.bitcast(rounded, jnp.float32)


def _two_sum(a, b):
    s = a + b
    bp = s - a
    err = (a - (s - bp)) + (b - bp)
    return s, err


def _sum3_single_round(t0, t1, t2):
    s1, e1 = _two_sum(t1, t2)
    s2, e2 = _two_sum(t0, s1)
    return s2 + (e1 + e2)


def _tie_repair(d0, i0, d1, i1, kbuf, ibuf, iota16):
    kbuf[pl.ds(0, 16)] = d0
    kbuf[pl.ds(16, 16)] = d1
    ibuf[pl.ds(0, 16)] = i0
    ibuf[pl.ds(16, 16)] = i1
    prev_ix = jnp.maximum(iota16 - 1, 0)
    next_ix0 = iota16 + 1
    kp0 = plsc.load_gather(kbuf, [prev_ix])
    kn0 = plsc.load_gather(kbuf, [next_ix0])
    ip0 = plsc.load_gather(ibuf, [prev_ix])
    in0 = plsc.load_gather(ibuf, [next_ix0])
    eqp0 = (d0 == kp0) & (iota16 > 0)
    eqn0 = d0 == kn0
    ni0 = jnp.where(eqp0, jnp.maximum(i0, ip0),
                    jnp.where(eqn0, jnp.minimum(i0, in0), i0))
    prev_ix1 = iota16 + 15
    next_ix1 = jnp.minimum(iota16 + 17, 31)
    kp1 = plsc.load_gather(kbuf, [prev_ix1])
    kn1 = plsc.load_gather(kbuf, [next_ix1])
    ip1 = plsc.load_gather(ibuf, [prev_ix1])
    in1 = plsc.load_gather(ibuf, [next_ix1])
    eqp1 = d1 == kp1
    eqn1 = (d1 == kn1) & (iota16 < 15)
    ni1 = jnp.where(eqp1, jnp.maximum(i1, ip1),
                    jnp.where(eqn1, jnp.minimum(i1, in1), i1))
    return ni0, ni1


def _bq_body(pc_hbm, cc_hbm, idx_out_hbm, pcv, pbv, ccv, p2v, idxout, kbuf, ibuf):
    c = lax.axis_index("c")
    s = lax.axis_index("s")
    wid = s * 2 + c
    b = wid // GPB
    g = wid % GPB

    pltpu.sync_copy(pc_hbm.at[b], pcv)
    for d in range(3):
        pltpu.sync_copy(cc_hbm.at[b, pl.ds(d * M + g * MPG, MPG)],
                        ccv.at[pl.ds(d * MPG, MPG)])

    @pl.loop(0, _NCHUNK)
    def _p2(cix):
        px = pcv[pl.ds(cix * 16, 16)]
        py = pcv[pl.ds(N + cix * 16, 16)]
        pz = pcv[pl.ds(2 * N + cix * 16, 16)]
        p2v[pl.ds(cix * 16, 16)] = (px * px + py * py) + pz * pz
        pbv[pl.ds(cix * 16, 16)] = _round_bf16(px)
        pbv[pl.ds(N + cix * 16, 16)] = _round_bf16(py)
        pbv[pl.ds(2 * N + cix * 16, 16)] = _round_bf16(pz)

    zeros_i = jnp.zeros((16,), jnp.int32)
    iota16 = lax.iota(jnp.int32, 16)

    @pl.loop(0, MPG)
    def _row(r):
        r_splat = zeros_i + r
        cx = plsc.load_gather(ccv, [r_splat])
        cy = plsc.load_gather(ccv, [r_splat + MPG])
        cz = plsc.load_gather(ccv, [r_splat + 2 * MPG])
        c2 = (cx * cx + cy * cy) + cz * cz
        cxb = _round_bf16(cx)
        cyb = _round_bf16(cy)
        czb = _round_bf16(cz)

        init = (jnp.full((16,), _INF, jnp.float32), zeros_i,
                jnp.full((16,), _INF, jnp.float32), zeros_i,
                jnp.full((16,), _INF, jnp.float32))

        def chunk_step(cix, carry):
            d0, i0, d1, i1, tvec = carry
            px = pbv[pl.ds(cix * 16, 16)]
            py = pbv[pl.ds(N + cix * 16, 16)]
            pz = pbv[pl.ds(2 * N + cix * 16, 16)]
            p2 = p2v[pl.ds(cix * 16, 16)]
            e = _sum3_single_round(cxb * px, cyb * py, czb * pz)
            dd = (c2 + p2) - 2.0 * e
            mask = dd < tvec

            def with_merge(args):
                d0, i0, d1, i1, tv = args
                cd_raw = jnp.where(mask, dd, jnp.float32(_INF))
                cd, ci = plsc.sort_key_val(cd_raw, iota16 + cix * 16)
                nd0, ni0, nd1, ni1 = _merge_top32(d0, i0, d1, i1, cd, ci)
                nt = jnp.zeros((16,), jnp.float32) + jnp.max(nd1)
                return nd0, ni0, nd1, ni1, nt

            return lax.cond(jnp.any(mask), with_merge, lambda a: a, carry)

        d0, i0, d1, i1, _ = lax.fori_loop(0, _NCHUNK, chunk_step, init)
        i0, i1 = _tie_repair(d0, i0, d1, i1, kbuf, ibuf, iota16)
        idxout[pl.ds(r * K, 16)] = i0
        idxout[pl.ds(r * K + 16, 16)] = i1

    pltpu.sync_copy(idxout, idx_out_hbm.at[b, pl.ds(g * MPG * K, MPG * K)])


@jax.jit
def _ball_query_sc(points_coords_flat, centers_coords_flat):
    mesh = plsc.VectorSubcoreMesh(core_axis_name="c", subcore_axis_name="s")
    f32 = jnp.float32
    cp = pltpu.CompilerParams()
    if "needs_layout_passes" in pltpu.CompilerParams.__dataclass_fields__:
        cp = dataclasses.replace(cp, needs_layout_passes=False)
    run = pl.kernel(
        _bq_body,
        compiler_params=cp,
        out_type=jax.ShapeDtypeStruct((B, M * K), jnp.int32),
        mesh=mesh,
        scratch_types=[
            pltpu.VMEM((3 * N,), f32),
            pltpu.VMEM((3 * N,), f32),
            pltpu.VMEM((3 * MPG,), f32),
            pltpu.VMEM((N,), f32),
            pltpu.VMEM((MPG * K,), jnp.int32),
            pltpu.VMEM((32,), f32),
            pltpu.VMEM((32,), jnp.int32),
        ],
    )
    return run(points_coords_flat, centers_coords_flat)


def _group_body(pc_hbm, cc_hbm, temb_hbm, pf_hbm, idx_hbm,
                out1_hbm, out2_hbm,
                idxv, pcv, ccv, row_v, featout, co):
    c = lax.axis_index("c")
    s = lax.axis_index("s")
    wid = s * 2 + c
    b = wid // GPB
    g = wid % GPB

    pltpu.sync_copy(idx_hbm.at[b], idxv)

    def do_tensor(src_hbm, out_hbm, ch_off):
        @pl.loop(0, CPG)
        def _ch(ci):
            ch = g * CPG + ci
            pltpu.sync_copy(src_hbm.at[b, ch], row_v)

            @pl.loop(0, M)
            def _row(r):
                i0 = idxv[pl.ds(r * K, 16)]
                i1 = idxv[pl.ds(r * K + 16, 16)]
                featout[pl.ds(r * K, 16)] = plsc.load_gather(row_v, [i0])
                featout[pl.ds(r * K + 16, 16)] = plsc.load_gather(row_v, [i1])

            pltpu.sync_copy(featout, out_hbm.at[b, ch_off + ch])

    do_tensor(pf_hbm, out1_hbm, 3)
    do_tensor(temb_hbm, out2_hbm, 0)

    pltpu.sync_copy(pc_hbm.at[b], pcv)
    for d in range(3):
        pltpu.sync_copy(cc_hbm.at[b, pl.ds(d * M + g * MPG, MPG)],
                        ccv.at[pl.ds(d * MPG, MPG)])

    for d in range(3):
        @pl.loop(0, MPG)
        def _crow(r):
            m = g * MPG + r
            i0 = idxv[pl.ds(m * K, 16)] + (d * N)
            i1 = idxv[pl.ds(m * K + 16, 16)] + (d * N)
            r_vec = jnp.zeros((16,), jnp.int32) + (r + d * MPG)
            cvec = plsc.load_gather(ccv, [r_vec])
            co[pl.ds(r * K, 16)] = plsc.load_gather(pcv, [i0]) - cvec
            co[pl.ds(r * K + 16, 16)] = plsc.load_gather(pcv, [i1]) - cvec

        pltpu.sync_copy(co, out1_hbm.at[b, d, pl.ds(g * MPG * K, MPG * K)])


@jax.jit
def _grouping_sc(points_coords, centers_coords, temb, points_features, idx):
    mesh = plsc.VectorSubcoreMesh(core_axis_name="c", subcore_axis_name="s")
    f32 = jnp.float32
    cp = pltpu.CompilerParams()
    if "needs_layout_passes" in pltpu.CompilerParams.__dataclass_fields__:
        cp = dataclasses.replace(cp, needs_layout_passes=False)
    run = pl.kernel(
        _group_body,
        compiler_params=cp,
        out_type=(jax.ShapeDtypeStruct((B, 3 + CF, M * K), f32),
                  jax.ShapeDtypeStruct((B, CF, M * K), f32)),
        mesh=mesh,
        scratch_types=[
            pltpu.VMEM((M * K,), jnp.int32),
            pltpu.VMEM((3 * N,), f32),
            pltpu.VMEM((3 * MPG,), f32),
            pltpu.VMEM((N,), f32),
            pltpu.VMEM((M * K,), f32),
            pltpu.VMEM((MPG * K,), f32),
        ],
    )
    out1, out2 = run(points_coords.reshape(B, 3 * N),
                     centers_coords.reshape(B, 3 * M), temb,
                     points_features, idx)
    return out1.reshape(B, 3 + CF, M, K), out2.reshape(B, CF, M, K)


def kernel(points_coords, centers_coords, temb, points_features):
    pc_flat = points_coords.reshape(B, 3 * N)
    cc_flat = centers_coords.reshape(B, 3 * M)
    idx_flat = _ball_query_sc(pc_flat, cc_flat)
    return _grouping_sc(points_coords, centers_coords, temb,
                        points_features, idx_flat)

# --- scband reference (transcript-rebuilt; emitter-appended) ---
"""Pipeline reference for scband-ball-query-70153995813273 (READ-ONLY COPY).

The authoritative reference and input builder live on the scoring server;
editing this copy changes nothing except your own understanding.
"""

import jax, jax.numpy as jnp
import numpy as np

RADIUS = 0.1
NUM_NEIGHBORS = 32


def ball_query(centers_coords, points_coords, radius, num_neighbors):
    # centers_coords: [B, 3, M], points_coords: [B, 3, N]
    centers = jnp.transpose(centers_coords, (0, 2, 1))  # [B, M, 3]
    points = jnp.transpose(points_coords, (0, 2, 1))    # [B, N, 3]
    c2 = jnp.sum(centers ** 2, axis=-1)                 # [B, M]
    p2 = jnp.sum(points ** 2, axis=-1)                  # [B, N]
    dist_sq = c2[:, :, None] + p2[:, None, :] - 2.0 * jnp.einsum('bmd,bnd->bmn', centers, points)
    # torch reference argsorts dist and takes first num_neighbors (radius unused)
    _, idx = jax.lax.top_k(-dist_sq, num_neighbors)     # [B, M, K] smallest distances
    return idx.astype(jnp.int32)


def grouping(features, indices):
    # features: [B, C, N]; indices: [B, M, U]
    B, C, N = features.shape
    _, M, U = indices.shape
    idx_flat = indices.reshape(B, M * U).astype(jnp.int32)
    idx_exp = jnp.broadcast_to(idx_flat[:, None, :], (B, C, M * U))
    gathered = jnp.take_along_axis(features, idx_exp, axis=2)
    return gathered.reshape(B, C, M, U)


def setup_inputs(seed: int = 0) -> dict:
    key = jax.random.key(seed)
    k1, k2, k3, k4 = jax.random.split(key, 4)
    points_coords = jax.random.uniform(k1, (4, 3, 4096), dtype=jnp.float32)
    centers_coords = jax.random.uniform(k2, (4, 3, 1024), dtype=jnp.float32)
    temb = jax.random.normal(k3, (4, 64, 4096), dtype=jnp.float32)
    points_features = jax.random.normal(k4, (4, 64, 4096), dtype=jnp.float32)
    return {
        'points_coords': points_coords,
        'centers_coords': centers_coords,
        'temb': temb,
        'points_features': points_features,
    }


def reference(points_coords, centers_coords, temb, points_features):
    neighbor_indices = ball_query(centers_coords, points_coords, RADIUS, NUM_NEIGHBORS)
    grouped_coords = grouping(points_coords, neighbor_indices)
    grouped_coords = grouped_coords - centers_coords[..., None]
    grouped_temb = grouping(temb, neighbor_indices)
    grouped_features = grouping(points_features, neighbor_indices)
    # include_coordinates=True
    grouped_features = jnp.concatenate([grouped_coords, grouped_features], axis=1)
    return (grouped_features, grouped_temb)

if __name__ == "__main__":
    import jax
    _d = setup_inputs()
    print(jax.jit(kernel)(*tuple(_d.values())))

</pallas_src>

<mosaic_0001>
#map = affine_map<(d0, d1) -> (0, 0)>
module attributes {stable_mosaic.version = 14 : i64} {
  func.func @_bq_body(%arg0: i32, %arg1: i32, %arg2: memref<4x12288xf32, #tpu.memory_space<hbm>>, %arg3: memref<4x3072xf32, #tpu.memory_space<hbm>>, %arg4: memref<4x32768xi32, #tpu.memory_space<hbm>>, %arg5: memref<12288xf32, #tpu.memory_space<vmem>>, %arg6: memref<12288xf32, #tpu.memory_space<vmem>>, %arg7: memref<384xf32, #tpu.memory_space<vmem>>, %arg8: memref<4096xf32, #tpu.memory_space<vmem>>, %arg9: memref<4096xi32, #tpu.memory_space<vmem>>, %arg10: memref<32xf32, #tpu.memory_space<vmem>>, %arg11: memref<32xi32, #tpu.memory_space<vmem>>) attributes {dimension_semantics = [#tpu.dimension_semantics<core_parallel>, #tpu.dimension_semantics<subcore_parallel>], iteration_bounds = array<i64: 2, 16>, scalar_prefetch = 0 : i64, scratch_operands = 7 : i64, tpu.core_type = #tpu.core_type<sc_vector_subcore>, window_params = [{transform_indices = #map}, {transform_indices = #map}, {transform_indices = #map}]} {
    %mul3A = arith.constant 2 : i32
    %mul3A_0 = arith.muli %arg1, %mul3A : i32
    %add3A = arith.addi %mul3A_0, %arg0 : i32
    %jit3A = arith.constant 8 : i32
    %div3A = arith.divsi %add3A, %jit3A : i32
    %sign3A = arith.constant 0 : i32
    %sign3A_1 = arith.cmpi sgt, %add3A, %sign3A : i32
    %sign3A_2 = arith.extui %sign3A_1 : i1 to i32
    %sign3A_3 = arith.constant 0 : i32
    %sign3A_4 = arith.cmpi slt, %add3A, %sign3A_3 : i32
    %sign3A_5 = arith.extui %sign3A_4 : i1 to i32
    %sign3A_6 = arith.subi %sign3A_2, %sign3A_5 : i32
    %sign3A_7 = arith.constant 0 : i32
    %sign3A_8 = arith.cmpi sgt, %jit3A, %sign3A_7 : i32
    %sign3A_9 = arith.extui %sign3A_8 : i1 to i32
    %sign3A_10 = arith.constant 0 : i32
    %sign3A_11 = arith.cmpi slt, %jit3A, %sign3A_10 : i32
    %sign3A_12 = arith.extui %sign3A_11 : i1 to i32
    %sign3A_13 = arith.subi %sign3A_9, %sign3A_12 : i32
    %ne3A = arith.cmpi ne, %sign3A_6, %sign3A_13 : i32
    %rem3A = arith.remsi %add3A, %jit3A : i32
    %ne3A_14 = arith.constant 0 : i32
    %ne3A_15 = arith.cmpi ne, %rem3A, %ne3A_14 : i32
    %and3A = arith.andi %ne3A, %ne3A_15 : i1
    %sub3A = arith.constant 1 : i32
    %sub3A_16 = arith.subi %div3A, %sub3A : i32
    %select_n3A = arith.select %and3A, %sub3A_16, %div3A : i32
    %jit3A_17 = arith.constant 8 : i32
    %eq3A = arith.constant 0 : i32
    %eq3A_18 = arith.cmpi eq, %jit3A_17, %eq3A : i32
    %jit3A_19 = arith.constant 1 : i32
    %select_n3A_20 = arith.select %eq3A_18, %jit3A_19, %jit3A_17 : i32
    %rem3A_21 = arith.remsi %add3A, %select_n3A_20 : i32
    %ne3A_22 = arith.constant 0 : i32
    %ne3A_23 = arith.cmpi ne, %rem3A_21, %ne3A_22 : i32
    %lt3A = arith.constant 0 : i32
    %lt3A_24 = arith.cmpi slt, %rem3A_21, %lt3A : i32
    %lt3A_25 = arith.constant 0 : i32
    %lt3A_26 = arith.cmpi slt, %select_n3A_20, %lt3A_25 : i32
    %ne3A_27 = arith.xori %lt3A_24, %lt3A_26 : i1
    %and3A_28 = arith.andi %ne3A_27, %ne3A_23 : i1
    %add3A_29 = arith.addi %rem3A_21, %select_n3A_20 : i32
    %select_n3A_30 = arith.select %and3A_28, %add3A_29, %rem3A_21 : i32
    "tpu.region"() ({
      %run_scoped3A = tpu.sem_alloc : memref<!tpu.dma_semaphore, #tpu.memory_space<semaphore_mem>>
      %dma_start3A = arith.constant 0 : i32
      %dma_start3A_57 = tpu.memref_slice %arg2[%select_n3A, %dma_start3A] : memref<4x12288xf32, #tpu.memory_space<hbm>> -> memref<1x12288xf32, #tpu.memory_space<hbm>>
      %dma_start3A_58 = tpu.memref_squeeze %dma_start3A_57 : memref<1x12288xf32, #tpu.memory_space<hbm>> -> memref<12288xf32, #tpu.memory_space<hbm>>
      %dma_start3A_59 = arith.constant 0 : i32
      %dma_start3A_60 = tpu.memref_slice %arg2[%select_n3A, %dma_start3A_59] : memref<4x12288xf32, #tpu.memory_space<hbm>> -> memref<1x12288xf32, #tpu.memory_space<hbm>>
      %dma_start3A_61 = tpu.memref_squeeze %dma_start3A_60 : memref<1x12288xf32, #tpu.memory_space<hbm>> -> memref<12288xf32, #tpu.memory_space<hbm>>
      tpu.enqueue_dma source(%dma_start3A_61 : memref<12288xf32, #tpu.memory_space<hbm>>) target(%arg5 : memref<12288xf32, #tpu.memory_space<vmem>>) target_semaphore(%run_scoped3A : memref<!tpu.dma_semaphore, #tpu.memory_space<semaphore_mem>>)
      %dma_wait3A = arith.constant 0 : i32
      %dma_wait3A_62 = tpu.memref_slice %arg2[%select_n3A, %dma_wait3A] : memref<4x12288xf32, #tpu.memory_space<hbm>> -> memref<1x12288xf32, #tpu.memory_space<hbm>>
      %dma_wait3A_63 = tpu.memref_squeeze %dma_wait3A_62 : memref<1x12288xf32, #tpu.memory_space<hbm>> -> memref<12288xf32, #tpu.memory_space<hbm>>
      %dma_wait3A_64 = arith.constant 0 : i32
      %dma_wait3A_65 = tpu.memref_slice %arg2[%select_n3A, %dma_wait3A_64] : memref<4x12288xf32, #tpu.memory_space<hbm>> -> memref<1x12288xf32, #tpu.memory_space<hbm>>
      %dma_wait3A_66 = tpu.memref_squeeze %dma_wait3A_65 : memref<1x12288xf32, #tpu.memory_space<hbm>> -> memref<12288xf32, #tpu.memory_space<hbm>>
      tpu.wait_dma2 semaphore(%run_scoped3A : memref<!tpu.dma_semaphore, #tpu.memory_space<semaphore_mem>>) src(%dma_wait3A_66 : memref<12288xf32, #tpu.memory_space<hbm>>) dst(%arg5 : memref<12288xf32, #tpu.memory_space<vmem>>)
      tpu.yield
    }) : () -> ()
    %mul3A_31 = arith.constant 128 : i32
    %mul3A_32 = arith.muli %select_n3A_30, %mul3A_31 : i32
    %add3A_33 = arith.constant 0 : i32
    %add3A_34 = arith.addi %add3A_33, %mul3A_32 : i32
    "tpu.region"() ({
      %run_scoped3A = tpu.sem_alloc : memref<!tpu.dma_semaphore, #tpu.memory_space<semaphore_mem>>
      %dma_start3A = arith.constant 0 : i32
      %dma_start3A_57 = tpu.memref_slice %arg7[%dma_start3A] : memref<384xf32, #tpu.memory_space<vmem>> -> memref<128xf32, #tpu.memory_space<vmem>>
      %dma_start3A_58 = tpu.memref_slice %arg3[%select_n3A, %add3A_34] : memref<4x3072xf32, #tpu.memory_space<hbm>> -> memref<1x128xf32, #tpu.memory_space<hbm>>
      %dma_start3A_59 = tpu.memref_squeeze %dma_start3A_58 : memref<1x128xf32, #tpu.memory_space<hbm>> -> memref<128xf32, #tpu.memory_space<hbm>>
      %dma_start3A_60 = arith.constant 0 : i32
      %dma_start3A_61 = tpu.memref_slice %arg7[%dma_start3A_60] : memref<384xf32, #tpu.memory_space<vmem>> -> memref<128xf32, #tpu.memory_space<vmem>>
      %dma_start3A_62 = tpu.memref_slice %arg3[%select_n3A, %add3A_34] : memref<4x3072xf32, #tpu.memory_space<hbm>> -> memref<1x128xf32, #tpu.memory_space<hbm>>
      %dma_start3A_63 = tpu.memref_squeeze %dma_start3A_62 : memref<1x128xf32, #tpu.memory_space<hbm>> -> memref<128xf32, #tpu.memory_space<hbm>>
      tpu.enqueue_dma source(%dma_start3A_63 : memref<128xf32, #tpu.memory_space<hbm>>) target(%dma_start3A_61 : memref<128xf32, #tpu.memory_space<vmem>>) target_semaphore(%run_scoped3A : memref<!tpu.dma_semaphore, #tpu.memory_space<semaphore_mem>>)
      %dma_wait3A = arith.constant 0 : i32
      %dma_wait3A_64 = tpu.memref_slice %arg7[%dma_wait3A] : memref<384xf32, #tpu.memory_space<vmem>> -> memref<128xf32, #tpu.memory_space<vmem>>
      %dma_wait3A_65 = tpu.memref_slice %arg3[%select_n3A, %add3A_34] : memref<4x3072xf32, #tpu.memory_space<hbm>> -> memref<1x128xf32, #tpu.memory_space<hbm>>
      %dma_wait3A_66 = tpu.memref_squeeze %dma_wait3A_65 : memref<1x128xf32, #tpu.memory_space<hbm>> -> memref<128xf32, #tpu.memory_space<hbm>>
      %dma_wait3A_67 = arith.constant 0 : i32
      %dma_wait3A_68 = tpu.memref_slice %arg7[%dma_wait3A_67] : memref<384xf32, #tpu.memory_space<vmem>> -> memref<128xf32, #tpu.memory_space<vmem>>
      %dma_wait3A_69 = tpu.memref_slice %arg3[%select_n3A, %add3A_34] : memref<4x3072xf32, #tpu.memory_space<hbm>> -> memref<1x128xf32, #tpu.memory_space<hbm>>
      %dma_wait3A_70 = tpu.memref_squeeze %dma_wait3A_69 : memref<1x128xf32, #tpu.memory_space<hbm>> -> memref<128xf32, #tpu.memory_space<hbm>>
      tpu.wait_dma2 semaphore(%run_scoped3A : memref<!tpu.dma_semaphore, #tpu.memory_space<semaphore_mem>>) src(%dma_wait3A_70 : memref<128xf32, #tpu.memory_space<hbm>>) dst(%dma_wait3A_68 : memref<128xf32, #tpu.memory_space<vmem>>)
      tpu.yield
    }) : () -> ()
    %mul3A_35 = arith.constant 128 : i32
    %mul3A_36 = arith.muli %select_n3A_30, %mul3A_35 : i32
    %add3A_37 = arith.constant 1024 : i32
    %add3A_38 = arith.addi %add3A_37, %mul3A_36 : i32
    "tpu.region"() ({
      %run_scoped3A = tpu.sem_alloc : memref<!tpu.dma_semaphore, #tpu.memory_space<semaphore_mem>>
      %dma_start3A = arith.constant 128 : i32
      %dma_start3A_57 = tpu.memref_slice %arg7[%dma_start3A] : memref<384xf32, #tpu.memory_space<vmem>> -> memref<128xf32, #tpu.memory_space<vmem>>
      %dma_start3A_58 = tpu.memref_slice %arg3[%select_n3A, %add3A_38] : memref<4x3072xf32, #tpu.memory_space<hbm>> -> memref<1x128xf32, #tpu.memory_space<hbm>>
      %dma_start3A_59 = tpu.memref_squeeze %dma_start3A_58 : memref<1x128xf32, #tpu.memory_space<hbm>> -> memref<128xf32, #tpu.memory_space<hbm>>
      %dma_start3A_60 = arith.constant 128 : i32
      %dma_start3A_61 = tpu.memref_slice %arg7[%dma_start3A_60] : memref<384xf32, #tpu.memory_space<vmem>> -> memref<128xf32, #tpu.memory_space<vmem>>
      %dma_start3A_62 = tpu.memref_slice %arg3[%select_n3A, %add3A_38] : memref<4x3072xf32, #tpu.memory_space<hbm>> -> memref<1x128xf32, #tpu.memory_space<hbm>>
      %dma_start3A_63 = tpu.memref_squeeze %dma_start3A_62 : memref<1x128xf32, #tpu.memory_space<hbm>> -> memref<128xf32, #tpu.memory_space<hbm>>
      tpu.enqueue_dma source(%dma_start3A_63 : memref<128xf32, #tpu.memory_space<hbm>>) target(%dma_start3A_61 : memref<128xf32, #tpu.memory_space<vmem>>) target_semaphore(%run_scoped3A : memref<!tpu.dma_semaphore, #tpu.memory_space<semaphore_mem>>)
      %dma_wait3A = arith.constant 128 : i32
      %dma_wait3A_64 = tpu.memref_slice %arg7[%dma_wait3A] : memref<384xf32, #tpu.memory_space<vmem>> -> memref<128xf32, #tpu.memory_space<vmem>>
      %dma_wait3A_65 = tpu.memref_slice %arg3[%select_n3A, %add3A_38] : memref<4x3072xf32, #tpu.memory_space<hbm>> -> memref<1x128xf32, #tpu.memory_space<hbm>>
      %dma_wait3A_66 = tpu.memref_squeeze %dma_wait3A_65 : memref<1x128xf32, #tpu.memory_space<hbm>> -> memref<128xf32, #tpu.memory_space<hbm>>
      %dma_wait3A_67 = arith.constant 128 : i32
      %dma_wait3A_68 = tpu.memref_slice %arg7[%dma_wait3A_67] : memref<384xf32, #tpu.memory_space<vmem>> -> memref<128xf32, #tpu.memory_space<vmem>>
      %dma_wait3A_69 = tpu.memref_slice %arg3[%select_n3A, %add3A_38] : memref<4x3072xf32, #tpu.memory_space<hbm>> -> memref<1x128xf32, #tpu.memory_space<hbm>>
      %dma_wait3A_70 = tpu.memref_squeeze %dma_wait3A_69 : memref<1x128xf32, #tpu.memory_space<hbm>> -> memref<128xf32, #tpu.memory_space<hbm>>
      tpu.wait_dma2 semaphore(%run_scoped3A : memref<!tpu.dma_semaphore, #tpu.memory_space<semaphore_mem>>) src(%dma_wait3A_70 : memref<128xf32, #tpu.memory_space<hbm>>) dst(%dma_wait3A_68 : memref<128xf32, #tpu.memory_space<vmem>>)
      tpu.yield
    }) : () -> ()
    %mul3A_39 = arith.constant 128 : i32
    %mul3A_40 = arith.muli %select_n3A_30, %mul3A_39 : i32
    %add3A_41 = arith.constant 2048 : i32
    %add3A_42 = arith.addi %add3A_41, %mul3A_40 : i32
    "tpu.region"() ({
      %run_scoped3A = tpu.sem_alloc : memref<!tpu.dma_semaphore, #tpu.memory_space<semaphore_mem>>
      %dma_start3A = arith.constant 256 : i32
      %dma_start3A_57 = tpu.memref_slice %arg7[%dma_start3A] : memref<384xf32, #tpu.memory_space<vmem>> -> memref<128xf32, #tpu.memory_space<vmem>>
      %dma_start3A_58 = tpu.memref_slice %arg3[%select_n3A, %add3A_42] : memref<4x3072xf32, #tpu.memory_space<hbm>> -> memref<1x128xf32, #tpu.memory_space<hbm>>
      %dma_start3A_59 = tpu.memref_squeeze %dma_start3A_58 : memref<1x128xf32, #tpu.memory_space<hbm>> -> memref<128xf32, #tpu.memory_space<hbm>>
      %dma_start3A_60 = arith.constant 256 : i32
      %dma_start3A_61 = tpu.memref_slice %arg7[%dma_start3A_60] : memref<384xf32, #tpu.memory_space<vmem>> -> memref<128xf32, #tpu.memory_space<vmem>>
      %dma_start3A_62 = tpu.memref_slice %arg3[%select_n3A, %add3A_42] : memref<4x3072xf32, #tpu.memory_space<hbm>> -> memref<1x128xf32, #tpu.memory_space<hbm>>
      %dma_start3A_63 = tpu.memref_squeeze %dma_start3A_62 : memref<1x128xf32, #tpu.memory_space<hbm>> -> memref<128xf32, #tpu.memory_space<hbm>>
      tpu.enqueue_dma source(%dma_start3A_63 : memref<128xf32, #tpu.memory_space<hbm>>) target(%dma_start3A_61 : memref<128xf32, #tpu.memory_space<vmem>>) target_semaphore(%run_scoped3A : memref<!tpu.dma_semaphore, #tpu.memory_space<semaphore_mem>>)
      %dma_wait3A = arith.constant 256 : i32
      %dma_wait3A_64 = tpu.memref_slice %arg7[%dma_wait3A] : memref<384xf32, #tpu.memory_space<vmem>> -> memref<128xf32, #tpu.memory_space<vmem>>
      %dma_wait3A_65 = tpu.memref_slice %arg3[%select_n3A, %add3A_42] : memref<4x3072xf32, #tpu.memory_space<hbm>> -> memref<1x128xf32, #tpu.memory_space<hbm>>
      %dma_wait3A_66 = tpu.memref_squeeze %dma_wait3A_65 : memref<1x128xf32, #tpu.memory_space<hbm>> -> memref<128xf32, #tpu.memory_space<hbm>>
      %dma_wait3A_67 = arith.constant 256 : i32
      %dma_wait3A_68 = tpu.memref_slice %arg7[%dma_wait3A_67] : memref<384xf32, #tpu.memory_space<vmem>> -> memref<128xf32, #tpu.memory_space<vmem>>
      %dma_wait3A_69 = tpu.memref_slice %arg3[%select_n3A, %add3A_42] : memref<4x3072xf32, #tpu.memory_space<hbm>> -> memref<1x128xf32, #tpu.memory_space<hbm>>
      %dma_wait3A_70 = tpu.memref_squeeze %dma_wait3A_69 : memref<1x128xf32, #tpu.memory_space<hbm>> -> memref<128xf32, #tpu.memory_space<hbm>>
      tpu.wait_dma2 semaphore(%run_scoped3A : memref<!tpu.dma_semaphore, #tpu.memory_space<semaphore_mem>>) src(%dma_wait3A_70 : memref<128xf32, #tpu.memory_space<hbm>>) dst(%dma_wait3A_68 : memref<128xf32, #tpu.memory_space<vmem>>)
      tpu.yield
    }) : () -> ()
    %scan3A = arith.constant 0 : i32
    %scan3A_43 = arith.constant 256 : i32
    %scan3A_44 = arith.addi %scan3A, %scan3A_43 : i32
    %scan3A_45 = arith.constant 1 : i32
    scf.for %scan3A_57 = %scan3A to %scan3A_44 step %scan3A_45  : i32 {
      %mul3A_58 = arith.constant 1 : i32
      %mul3A_59 = arith.muli %scan3A_57, %mul3A_58 : i32
      %add3A_60 = arith.constant 0 : i32
      %add3A_61 = arith.addi %add3A_60, %mul3A_59 : i32
      %mul3A_62 = arith.constant 16 : i32
      %mul3A_63 = arith.muli %add3A_61, %mul3A_62 : i32
      %get3A = arith.index_cast %mul3A_63 : i32 to index
      %get3A_64 = tpu.vector_load %arg5[%get3A] {strides = array<i32>} : memref<12288xf32, #tpu.memory_space<vmem>>, vector<16xf32>,
      %mul3A_65 = arith.constant 16 : i32
      %mul3A_66 = arith.muli %add3A_61, %mul3A_65 : i32
      %add3A_67 = arith.constant 4096 : i32
      %add3A_68 = arith.addi %add3A_67, %mul3A_66 : i32
      %get3A_69 = arith.index_cast %add3A_68 : i32 to index
      %get3A_70 = tpu.vector_load %arg5[%get3A_69] {strides = array<i32>} : memref<12288xf32, #tpu.memory_space<vmem>>, vector<16xf32>,
      %mul3A_71 = arith.constant 16 : i32
      %mul3A_72 = arith.muli %add3A_61, %mul3A_71 : i32
      %add3A_73 = arith.constant 8192 : i32
      %add3A_74 = arith.addi %add3A_73, %mul3A_72 : i32
      %get3A_75 = arith.index_cast %add3A_74 : i32 to index
      %get3A_76 = tpu.vector_load %arg5[%get3A_75] {strides = array<i32>} : memref<12288xf32, #tpu.memory_space<vmem>>, vector<16xf32>,
      %mul3A_77 = arith.mulf %get3A_64, %get3A_64 : vector<16xf32>
      %mul3A_78 = arith.mulf %get3A_70, %get3A_70 : vector<16xf32>
      %add3A_79 = arith.addf %mul3A_77, %mul3A_78 : vector<16xf32>
      %mul3A_80 = arith.mulf %get3A_76, %get3A_76 : vector<16xf32>
      %add3A_81 = arith.addf %add3A_79, %mul3A_80 : vector<16xf32>
      %mul3A_82 = arith.constant 16 : i32
      %mul3A_83 = arith.muli %add3A_61, %mul3A_82 : i32
      %swap3A = arith.index_cast %mul3A_83 : i32 to index
      %swap3A_84 = tpu.vector_load %arg8[%swap3A] {strides = array<i32>} : memref<4096xf32, #tpu.memory_space<vmem>>, vector<16xf32>,
      tpu.vector_store %arg8[%swap3A], %add3A_81 {strides = array<i32>} : memref<4096xf32, #tpu.memory_space<vmem>>, vector<16xf32>,
      %bitcast3A = vector.bitcast %get3A_64 : vector<16xf32> to vector<16xi32>
      %shift_right_logical3A = arith.constant 16 : i32
      %shift_right_logical3A_85 = vector.broadcast %shift_right_logical3A : i32 to vector<16xi32>
      %shift_right_logical3A_86 = arith.shrui %bitcast3A, %shift_right_logical3A_85 : vector<16xi32>
      %and3A_87 = arith.constant 1 : i32
      %and3A_88 = vector.broadcast %and3A_87 : i32 to vector<16xi32>
      %and3A_89 = arith.andi %shift_right_logical3A_86, %and3A_88 : vector<16xi32>
      %add3A_90 = arith.constant 32767 : i32
      %add3A_91 = vector.broadcast %add3A_90 : i32 to vector<16xi32>
      %add3A_92 = arith.addi %bitcast3A, %add3A_91 : vector<16xi32>
      %add3A_93 = arith.addi %add3A_92, %and3A_89 : vector<16xi32>
      %and3A_94 = arith.constant -65536 : i32
      %and3A_95 = vector.broadcast %and3A_94 : i32 to vector<16xi32>
      %and3A_96 = arith.andi %add3A_93, %and3A_95 : vector<16xi32>
      %bitcast3A_97 = vector.bitcast %and3A_96 : vector<16xi32> to vector<16xf32>
      %mul3A_98 = arith.constant 16 : i32
      %mul3A_99 = arith.muli %add3A_61, %mul3A_98 : i32
      %swap3A_100 = arith.index_cast %mul3A_99 : i32 to index
      %swap3A_101 = tpu.vector_load %arg6[%swap3A_100] {strides = array<i32>} : memref<12288xf32, #tpu.memory_space<vmem>>, vector<16xf32>,
      tpu.vector_store %arg6[%swap3A_100], %bitcast3A_97 {strides = array<i32>} : memref<12288xf32, #tpu.memory_space<vmem>>, vector<16xf32>,
      %bitcast3A_102 = vector.bitcast %get3A_70 : vector<16xf32> to vector<16xi32>
      %shift_right_logical3A_103 = arith.constant 16 : i32
      %shift_right_logical3A_104 = vector.broadcast %shift_right_logical3A_103 : i32 to vector<16xi32>
      %shift_right_logical3A_105 = arith.shrui %bitcast3A_102, %shift_right_logical3A_104 : vector<16xi32>
      %and3A_106 = arith.constant 1 : i32
      %and3A_107 = vector.broadcast %and3A_106 : i32 to vector<16xi32>
      %and3A_108 = arith.andi %shift_right_logical3A_105, %and3A_107 : vector<16xi32>
      %add3A_109 = arith.constant 32767 : i32
      %add3A_110 = vector.broadcast %add3A_109 : i32 to vector<16xi32>
      %add3A_111 = arith.addi %bitcast3A_102, %add3A_110 : vector<16xi32>
      %add3A_112 = arith.addi %add3A_111, %and3A_108 : vector<16xi32>
      %and3A_113 = arith.constant -65536 : i32
      %and3A_114 = vector.broadcast %and3A_113 : i32 to vector<16xi32>
      %and3A_115 = arith.andi %add3A_112, %and3A_114 : vector<16xi32>
      %bitcast3A_116 = vector.bitcast %and3A_115 : vector<16xi32> to vector<16xf32>
      %mul3A_117 = arith.constant 16 : i32
      %mul3A_118 = arith.muli %add3A_61, %mul3A_117 : i32
      %add3A_119 = arith.constant 4096 : i32
      %add3A_120 = arith.addi %add3A_119, %mul3A_118 : i32
      %swap3A_121 = arith.index_cast %add3A_120 : i32 to index
      %swap3A_122 = tpu.vector_load %arg6[%swap3A_121] {strides = array<i32>} : memref<12288xf32, #tpu.memory_space<vmem>>, vector<16xf32>,
      tpu.vector_store %arg6[%swap3A_121], %bitcast3A_116 {strides = array<i32>} : memref<12288xf32, #tpu.memory_space<vmem>>, vector<16xf32>,
      %bitcast3A_123 = vector.bitcast %get3A_76 : vector<16xf32> to vector<16xi32>
      %shift_right_logical3A_124 = arith.constant 16 : i32
      %shift_right_logical3A_125 = vector.broadcast %shift_right_logical3A_124 : i32 to vector<16xi32>
      %shift_right_logical3A_126 = arith.shrui %bitcast3A_123, %shift_right_logical3A_125 : vector<16xi32>
      %and3A_127 = arith.constant 1 : i32
      %and3A_128 = vector.broadcast %and3A_127 : i32 to vector<16xi32>
      %and3A_129 = arith.andi %shift_right_logical3A_126, %and3A_128 : vector<16xi32>
      %add3A_130 = arith.constant 32767 : i32
      %add3A_131 = vector.broadcast %add3A_130 : i32 to vector<16xi32>
      %add3A_132 = arith.addi %bitcast3A_123, %add3A_131 : vector<16xi32>
      %add3A_133 = arith.addi %add3A_132, %and3A_129 : vector<16xi32>
      %and3A_134 = arith.constant -65536 : i32
      %and3A_135 = vector.broadcast %and3A_134 : i32 to vector<16xi32>
      %and3A_136 = arith.andi %add3A_133, %and3A_135 : vector<16xi32>
      %bitcast3A_137 = vector.bitcast %and3A_136 : vector<16xi32> to vector<16xf32>
      %mul3A_138 = arith.constant 16 : i32
      %mul3A_139 = arith.muli %add3A_61, %mul3A_138 : i32
      %add3A_140 = arith.constant 8192 : i32
      %add3A_141 = arith.addi %add3A_140, %mul3A_139 : i32
      %swap3A_142 = arith.index_cast %add3A_141 : i32 to index
      %swap3A_143 = tpu.vector_load %arg6[%swap3A_142] {strides = array<i32>} : memref<12288xf32, #tpu.memory_space<vmem>>, vector<16xf32>,
      tpu.vector_store %arg6[%swap3A_142], %bitcast3A_137 {strides = array<i32>} : memref<12288xf32, #tpu.memory_space<vmem>>, vector<16xf32>,
    }
    %scan3A_46 = arith.constant 256 : i32
    %broadcast_in_dim3A = arith.constant 0 : i32
    %broadcast_in_dim3A_47 = vector.broadcast %broadcast_in_dim3A : i32 to vector<16xi32>
    %iota3A = tpu.iota {dimensions = array<i32: 0>} : vector<16xi32>
    %scan3A_48 = arith.constant 0 : i32
    %scan3A_49 = arith.constant 128 : i32
    %scan3A_50 = arith.addi %scan3A_48, %scan3A_49 : i32
    %scan3A_51 = arith.constant 1 : i32
    scf.for %scan3A_57 = %scan3A_48 to %scan3A_50 step %scan3A_51  : i32 {
      %mul3A_58 = arith.constant 1 : i32
      %mul3A_59 = arith.muli %scan3A_57, %mul3A_58 : i32
      %add3A_60 = arith.constant 0 : i32
      %add3A_61 = arith.addi %add3A_60, %mul3A_59 : i32
      %add3A_62 = vector.broadcast %add3A_61 : i32 to vector<16xi32>
      %add3A_63 = arith.addi %broadcast_in_dim3A_47, %add3A_62 : vector<16xi32>
      %gather3A = tpu.vector_load_idx %arg7[%add3A_63] : memref<384xf32, #tpu.memory_space<vmem>>[vector<16xi32>], vector<16xf32>,
      %add3A_64 = arith.constant 128 : i32
      %add3A_65 = vector.broadcast %add3A_64 : i32 to vector<16xi32>
      %add3A_66 = arith.addi %add3A_63, %add3A_65 : vector<16xi32>
      %gather3A_67 = tpu.vector_load_idx %arg7[%add3A_66] : memref<384xf32, #tpu.memory_space<vmem>>[vector<16xi32>], vector<16xf32>,
      %add3A_68 = arith.constant 256 : i32
      %add3A_69 = vector.broadcast %add3A_68 : i32 to vector<16xi32>
      %add3A_70 = arith.addi %add3A_63, %add3A_69 : vector<16xi32>
      %gather3A_71 = tpu.vector_load_idx %arg7[%add3A_70] : memref<384xf32, #tpu.memory_space<vmem>>[vector<16xi32>], vector<16xf32>,
      %mul3A_72 = arith.mulf %gather3A, %gather3A : vector<16xf32>
      %mul3A_73 = arith.mulf %gather3A_67, %gather3A_67 : vector<16xf32>
      %add3A_74 = arith.addf %mul3A_72, %mul3A_73 : vector<16xf32>
      %mul3A_75 = arith.mulf %gather3A_71, %gather3A_71 : vector<16xf32>
      %add3A_76 = arith.addf %add3A_74, %mul3A_75 : vector<16xf32>
      %bitcast3A = vector.bitcast %gather3A : vector<16xf32> to vector<16xi32>
      %shift_right_logical3A = arith.constant 16 : i32
      %shift_right_logical3A_77 = vector.broadcast %shift_right_logical3A : i32 to vector<16xi32>
      %shift_right_logical3A_78 = arith.shrui %bitcast3A, %shift_right_logical3A_77 : vector<16xi32>
      %and3A_79 = arith.constant 1 : i32
      %and3A_80 = vector.broadcast %and3A_79 : i32 to vector<16xi32>
      %and3A_81 = arith.andi %shift_right_logical3A_78, %and3A_80 : vector<16xi32>
      %add3A_82 = arith.constant 32767 : i32
      %add3A_83 = vector.broadcast %add3A_82 : i32 to vector<16xi32>
      %add3A_84 = arith.addi %bitcast3A, %add3A_83 : vector<16xi32>
      %add3A_85 = arith.addi %add3A_84, %and3A_81 : vector<16xi32>
      %and3A_86 = arith.constant -65536 : i32
      %and3A_87 = vector.broadcast %and3A_86 : i32 to vector<16xi32>
      %and3A_88 = arith.andi %add3A_85, %and3A_87 : vector<16xi32>
      %bitcast3A_89 = vector.bitcast %and3A_88 : vector<16xi32> to vector<16xf32>
      %bitcast3A_90 = vector.bitcast %gather3A_67 : vector<16xf32> to vector<16xi32>
      %shift_right_logical3A_91 = arith.constant 16 : i32
      %shift_right_logical3A_92 = vector.broadcast %shift_right_logical3A_91 : i32 to vector<16xi32>
      %shift_right_logical3A_93 = arith.shrui %bitcast3A_90, %shift_right_logical3A_92 : vector<16xi32>
      %and3A_94 = arith.constant 1 : i32
      %and3A_95 = vector.broadcast %and3A_94 : i32 to vector<16xi32>
      %and3A_96 = arith.andi %shift_right_logical3A_93, %and3A_95 : vector<16xi32>
      %add3A_97 = arith.constant 32767 : i32
      %add3A_98 = vector.broadcast %add3A_97 : i32 to vector<16xi32>
      %add3A_99 = arith.addi %bitcast3A_90, %add3A_98 : vector<16xi32>
      %add3A_100 = arith.addi %add3A_99, %and3A_96 : vector<16xi32>
      %and3A_101 = arith.constant -65536 : i32
      %and3A_102 = vector.broadcast %and3A_101 : i32 to vector<16xi32>
      %and3A_103 = arith.andi %add3A_100, %and3A_102 : vector<16xi32>
      %bitcast3A_104 = vector.bitcast %and3A_103 : vector<16xi32> to vector<16xf32>
      %bitcast3A_105 = vector.bitcast %gather3A_71 : vector<16xf32> to vector<16xi32>
      %shift_right_logical3A_106 = arith.constant 16 : i32
      %shift_right_logical3A_107 = vector.broadcast %shift_right_logical3A_106 : i32 to vector<16xi32>
      %shift_right_logical3A_108 = arith.shrui %bitcast3A_105, %shift_right_logical3A_107 : vector<16xi32>
      %and3A_109 = arith.constant 1 : i32
      %and3A_110 = vector.broadcast %and3A_109 : i32 to vector<16xi32>
      %and3A_111 = arith.andi %shift_right_logical3A_108, %and3A_110 : vector<16xi32>
      %add3A_112 = arith.constant 32767 : i32
      %add3A_113 = vector.broadcast %add3A_112 : i32 to vector<16xi32>
      %add3A_114 = arith.addi %bitcast3A_105, %add3A_113 : vector<16xi32>
      %add3A_115 = arith.addi %add3A_114, %and3A_111 : vector<16xi32>
      %and3A_116 = arith.constant -65536 : i32
      %and3A_117 = vector.broadcast %and3A_116 : i32 to vector<16xi32>
      %and3A_118 = arith.andi %add3A_115, %and3A_117 : vector<16xi32>
      %bitcast3A_119 = vector.bitcast %and3A_118 : vector<16xi32> to vector<16xf32>
      %broadcast_in_dim3A_120 = arith.constant 0x7F800000 : f32
      %broadcast_in_dim3A_121 = vector.broadcast %broadcast_in_dim3A_120 : f32 to vector<16xf32>
      %broadcast_in_dim3A_122 = arith.constant 0x7F800000 : f32
      %broadcast_in_dim3A_123 = vector.broadcast %broadcast_in_dim3A_122 : f32 to vector<16xf32>
      %broadcast_in_dim3A_124 = arith.constant 0x7F800000 : f32
      %broadcast_in_dim3A_125 = vector.broadcast %broadcast_in_dim3A_124 : f32 to vector<16xf32>
      %scan3A_126 = arith.constant 0 : i32
      %scan3A_127 = arith.constant 256 : i32
      %scan3A_128 = arith.addi %scan3A_126, %scan3A_127 : i32
      %scan3A_129 = arith.constant 1 : i32
      %scan3A_130:5 = scf.for %scan3A_192 = %scan3A_126 to %scan3A_128 step %scan3A_129 iter_args(%scan3A_193 = %broadcast_in_dim3A_121, %scan3A_194 = %broadcast_in_dim3A_47, %scan3A_195 = %broadcast_in_dim3A_123, %scan3A_196 = %broadcast_in_dim3A_47, %scan3A_197 = %broadcast_in_dim3A_125) -> (vector<16xf32>, vector<16xi32>, vector<16xf32>, vector<16xi32>, vector<16xf32>)  : i32 {
        %mul3A_198 = arith.constant 16 : i32
        %mul3A_199 = arith.muli %scan3A_192, %mul3A_198 : i32
        %get3A = arith.index_cast %mul3A_199 : i32 to index
        %get3A_200 = tpu.vector_load %arg6[%get3A] {strides = array<i32>} : memref<12288xf32, #tpu.memory_space<vmem>>, vector<16xf32>,
        %mul3A_201 = arith.constant 16 : i32
        %mul3A_202 = arith.muli %scan3A_192, %mul3A_201 : i32
        %add3A_203 = arith.constant 4096 : i32
        %add3A_204 = arith.addi %add3A_203, %mul3A_202 : i32
        %get3A_205 = arith.index_cast %add3A_204 : i32 to index
        %get3A_206 = tpu.vector_load %arg6[%get3A_205] {strides = array<i32>} : memref<12288xf32, #tpu.memory_space<vmem>>, vector<16xf32>,
        %mul3A_207 = arith.constant 16 : i32
        %mul3A_208 = arith.muli %scan3A_192, %mul3A_207 : i32
        %add3A_209 = arith.constant 8192 : i32
        %add3A_210 = arith.addi %add3A_209, %mul3A_208 : i32
        %get3A_211 = arith.index_cast %add3A_210 : i32 to index
        %get3A_212 = tpu.vector_load %arg6[%get3A_211] {strides = array<i32>} : memref<12288xf32, #tpu.memory_space<vmem>>, vector<16xf32>,
        %mul3A_213 = arith.constant 16 : i32
        %mul3A_214 = arith.muli %scan3A_192, %mul3A_213 : i32
        %get3A_215 = arith.index_cast %mul3A_214 : i32 to index
        %get3A_216 = tpu.vector_load %arg8[%get3A_215] {strides = array<i32>} : memref<4096xf32, #tpu.memory_space<vmem>>, vector<16xf32>,
        %mul3A_217 = arith.mulf %bitcast3A_89, %get3A_200 : vector<16xf32>
        %mul3A_218 = arith.mulf %bitcast3A_104, %get3A_206 : vector<16xf32>
        %mul3A_219 = arith.mulf %bitcast3A_119, %get3A_212 : vector<16xf32>
        %add3A_220 = arith.addf %mul3A_218, %mul3A_219 : vector<16xf32>
        %sub3A_221 = arith.subf %add3A_220, %mul3A_218 : vector<16xf32>
        %sub3A_222 = arith.subf %add3A_220, %sub3A_221 : vector<16xf32>
        %sub3A_223 = arith.subf %mul3A_218, %sub3A_222 : vector<16xf32>
        %sub3A_224 = arith.subf %mul3A_219, %sub3A_221 : vector<16xf32>
        %add3A_225 = arith.addf %sub3A_223, %sub3A_224 : vector<16xf32>
        %add3A_226 = arith.addf %mul3A_217, %add3A_220 : vector<16xf32>
        %sub3A_227 = arith.subf %add3A_226, %mul3A_217 : vector<16xf32>
        %sub3A_228 = arith.subf %add3A_226, %sub3A_227 : vector<16xf32>
        %sub3A_229 = arith.subf %mul3A_217, %sub3A_228 : vector<16xf32>
        %sub3A_230 = arith.subf %add3A_220, %sub3A_227 : vector<16xf32>
        %add3A_231 = arith.addf %sub3A_229, %sub3A_230 : vector<16xf32>
        %add3A_232 = arith.addf %add3A_225, %add3A_231 : vector<16xf32>
        %add3A_233 = arith.addf %add3A_226, %add3A_232 : vector<16xf32>
        %add3A_234 = arith.addf %add3A_76, %get3A_216 : vector<16xf32>
        %mul3A_235 = arith.constant 2.000000e+00 : f32
        %mul3A_236 = vector.broadcast %mul3A_235 : f32 to vector<16xf32>
        %mul3A_237 = arith.mulf %mul3A_236, %add3A_233 : vector<16xf32>
        %sub3A_238 = arith.subf %add3A_234, %mul3A_237 : vector<16xf32>
        %lt3A_239 = arith.cmpf olt, %sub3A_238, %scan3A_197 : vector<16xf32>
        %reduce_or3A = arith.constant 1.000000e+00 : f32
        %reduce_or3A_240 = arith.constant 0.000000e+00 : f32
        %reduce_or3A_241 = vector.broadcast %reduce_or3A : f32 to vector<16xf32>
        %reduce_or3A_242 = vector.broadcast %reduce_or3A_240 : f32 to vector<16xf32>
        %reduce_or3A_243 = arith.select %lt3A_239, %reduce_or3A_241, %reduce_or3A_242 : vector<16xi1>, vector<16xf32>
        %reduce_or3A_244 = arith.constant true
        %reduce_or3A_245 = vector.broadcast %reduce_or3A_244 : i1 to vector<16xi1>
        %reduce_or3A_246 = tpu.scan <max>, %reduce_or3A_243 masked %reduce_or3A_245 : vector<16xf32>, vector<16xi1> -> vector<16xf32>
        %reduce_or3A_247 = vector.extract %reduce_or3A_246[15] : f32 from vector<16xf32>
        %reduce_or3A_248 = arith.constant 0.000000e+00 : f32
        %reduce_or3A_249 = arith.cmpf ogt, %reduce_or3A_247, %reduce_or3A_248 : f32
        %convert_element_type3A = arith.extui %reduce_or3A_249 : i1 to i32
        %cond3A = arith.constant 0 : i32
        %cond3A_250 = arith.cmpi ne, %convert_element_type3A, %cond3A : i32
        %cond3A_251:5 = scf.if %cond3A_250 -> (vector<16xf32>, vector<16xi32>, vector<16xf32>, vector<16xi32>, vector<16xf32>) {
          %jit3A_252 = arith.constant 0x7F800000 : f32
          %broadcast_in_dim3A_253 = vector.broadcast %jit3A_252 : f32 to vector<16xf32>
          %select_n3A_254 = arith.select %lt3A_239, %sub3A_238, %broadcast_in_dim3A_253 : vector<16xi1>, vector<16xf32>
          %mul3A_255 = arith.constant 16 : i32
          %mul3A_256 = arith.muli %scan3A_192, %mul3A_255 : i32
          %add3A_257 = vector.broadcast %mul3A_256 : i32 to vector<16xi32>
          %add3A_258 = arith.addi %iota3A, %add3A_257 : vector<16xi32>
          %masked_sort3A = arith.constant dense<true> : vector<16xi1>
          %masked_sort3A_259, %masked_sort3A_260, %masked_sort3A_261 = tpu.sort %select_n3A_254, %add3A_258 masked %masked_sort3A : (vector<16xf32>, vector<16xi32>, vector<16xi1>) -> (vector<16xi1>, vector<16xf32>, vector<16xi32>)
          %rev3A = arith.constant 15 : i32
          %rev3A_262 = vector.broadcast %rev3A : i32 to vector<16xi32>
          %rev3A_263 = tpu.iota {dimensions = array<i32: 0>} : vector<16xi32>
          %rev3A_264 = arith.subi %rev3A_262, %rev3A_263 : vector<16xi32>
          %rev3A_265 = tpu.dynamic_gather %masked_sort3A_260[%rev3A_264] in [0] : vector<16xf32>, vector<16xi32> -> vector<16xf32>
          %rev3A_266 = arith.constant 15 : i32
          %rev3A_267 = vector.broadcast %rev3A_266 : i32 to vector<16xi32>
          %rev3A_268 = tpu.iota {dimensions = array<i32: 0>} : vector<16xi32>
          %rev3A_269 = arith.subi %rev3A_267, %rev3A_268 : vector<16xi32>
          %rev3A_270 = tpu.dynamic_gather %masked_sort3A_261[%rev3A_269] in [0] : vector<16xi32>, vector<16xi32> -> vector<16xi32>
          %le3A = arith.cmpf ole, %scan3A_195, %rev3A_265 : vector<16xf32>
          %select_n3A_271 = arith.select %le3A, %scan3A_195, %rev3A_265 : vector<16xi1>, vector<16xf32>
          %select_n3A_272 = arith.select %le3A, %scan3A_196, %rev3A_270 : vector<16xi1>, vector<16xi32>
          %le3A_273 = arith.cmpf ole, %scan3A_193, %select_n3A_271 : vector<16xf32>
          %select_n3A_274 = arith.select %le3A_273, %scan3A_193, %select_n3A_271 : vector<16xi1>, vector<16xf32>
          %select_n3A_275 = arith.select %le3A_273, %scan3A_194, %select_n3A_272 : vector<16xi1>, vector<16xi32>
          %select_n3A_276 = arith.select %le3A_273, %select_n3A_271, %scan3A_193 : vector<16xi1>, vector<16xf32>
          %select_n3A_277 = arith.select %le3A_273, %select_n3A_272, %scan3A_194 : vector<16xi1>, vector<16xi32>
          %masked_sort3A_278 = arith.constant dense<true> : vector<16xi1>
          %masked_sort3A_279, %masked_sort3A_280, %masked_sort3A_281 = tpu.sort %select_n3A_274, %select_n3A_275 masked %masked_sort3A_278 : (vector<16xf32>, vector<16xi32>, vector<16xi1>) -> (vector<16xi1>, vector<16xf32>, vector<16xi32>)
          %masked_sort3A_282 = arith.constant dense<true> : vector<16xi1>
          %masked_sort3A_283, %masked_sort3A_284, %masked_sort3A_285 = tpu.sort %select_n3A_276, %select_n3A_277 masked %masked_sort3A_282 : (vector<16xf32>, vector<16xi32>, vector<16xi1>) -> (vector<16xi1>, vector<16xf32>, vector<16xi32>)
          %broadcast_in_dim3A_286 = arith.constant 0.000000e+00 : f32
          %broadcast_in_dim3A_287 = vector.broadcast %broadcast_in_dim3A_286 : f32 to vector<16xf32>
          %reduce_max3A = arith.constant true
          %reduce_max3A_288 = vector.broadcast %reduce_max3A : i1 to vector<16xi1>
          %reduce_max3A_289 = tpu.scan <max>, %masked_sort3A_284 masked %reduce_max3A_288 : vector<16xf32>, vector<16xi1> -> vector<16xf32>
          %reduce_max3A_290 = vector.extract %reduce_max3A_289[15] : f32 from vector<16xf32>
          %add3A_291 = vector.broadcast %reduce_max3A_290 : f32 to vector<16xf32>
          %add3A_292 = arith.addf %broadcast_in_dim3A_287, %add3A_291 : vector<16xf32>
          scf.yield %masked_sort3A_280, %masked_sort3A_281, %masked_sort3A_284, %masked_sort3A_285, %add3A_292 : vector<16xf32>, vector<16xi32>, vector<16xf32>, vector<16xi32>, vector<16xf32>
        } else {
          scf.yield %scan3A_193, %scan3A_194, %scan3A_195, %scan3A_196, %scan3A_197 : vector<16xf32>, vector<16xi32>, vector<16xf32>, vector<16xi32>, vector<16xf32>
        }
        scf.yield %cond3A_251#0, %cond3A_251#1, %cond3A_251#2, %cond3A_251#3, %cond3A_251#4 : vector<16xf32>, vector<16xi32>, vector<16xf32>, vector<16xi32>, vector<16xf32>
      }
      %scan3A_131 = arith.constant 256 : i32
      %swap3A = arith.constant 0 : index
      %swap3A_132 = tpu.vector_load %arg10[%swap3A] {strides = array<i32>} : memref<32xf32, #tpu.memory_space<vmem>>, vector<16xf32>,
      tpu.vector_store %arg10[%swap3A], %scan3A_130#0 {strides = array<i32>} : memref<32xf32, #tpu.memory_space<vmem>>, vector<16xf32>,
      %swap3A_133 = arith.constant 16 : index
      %swap3A_134 = tpu.vector_load %arg10[%swap3A_133] {strides = array<i32>} : memref<32xf32, #tpu.memory_space<vmem>>, vector<16xf32>,
      tpu.vector_store %arg10[%swap3A_133], %scan3A_130#2 {strides = array<i32>} : memref<32xf32, #tpu.memory_space<vmem>>, vector<16xf32>,
      %swap3A_135 = arith.constant 0 : index
      %swap3A_136 = tpu.vector_load %arg11[%swap3A_135] {strides = array<i32>} : memref<32xi32, #tpu.memory_space<vmem>>, vector<16xi32>,
      tpu.vector_store %arg11[%swap3A_135], %scan3A_130#1 {strides = array<i32>} : memref<32xi32, #tpu.memory_space<vmem>>, vector<16xi32>,
      %swap3A_137 = arith.constant 16 : index
      %swap3A_138 = tpu.vector_load %arg11[%swap3A_137] {strides = array<i32>} : memref<32xi32, #tpu.memory_space<vmem>>, vector<16xi32>,
      tpu.vector_store %arg11[%swap3A_137], %scan3A_130#3 {strides = array<i32>} : memref<32xi32, #tpu.memory_space<vmem>>, vector<16xi32>,
      %sub3A_139 = arith.constant 1 : i32
      %sub3A_140 = vector.broadcast %sub3A_139 : i32 to vector<16xi32>
      %sub3A_141 = arith.subi %iota3A, %sub3A_140 : vector<16xi32>
      %max3A = arith.constant 0 : i32
      %max3A_142 = vector.broadcast %max3A : i32 to vector<16xi32>
      %max3A_143 = arith.maxsi %sub3A_141, %max3A_142 : vector<16xi32>
      %add3A_144 = arith.constant 1 : i32
      %add3A_145 = vector.broadcast %add3A_144 : i32 to vector<16xi32>
      %add3A_146 = arith.addi %iota3A, %add3A_145 : vector<16xi32>
      %gather3A_147 = tpu.vector_load_idx %arg10[%max3A_143] : memref<32xf32, #tpu.memory_space<vmem>>[vector<16xi32>], vector<16xf32>,
      %gather3A_148 = tpu.vector_load_idx %arg10[%add3A_146] : memref<32xf32, #tpu.memory_space<vmem>>[vector<16xi32>], vector<16xf32>,
      %gather3A_149 = tpu.vector_load_idx %arg11[%max3A_143] : memref<32xi32, #tpu.memory_space<vmem>>[vector<16xi32>], vector<16xi32>,
      %gather3A_150 = tpu.vector_load_idx %arg11[%add3A_146] : memref<32xi32, #tpu.memory_space<vmem>>[vector<16xi32>], vector<16xi32>,
      %eq3A_151 = arith.cmpf oeq, %scan3A_130#0, %gather3A_147 : vector<16xf32>
      %gt3A = arith.constant 0 : i32
      %gt3A_152 = vector.broadcast %gt3A : i32 to vector<16xi32>
      %gt3A_153 = arith.cmpi sgt, %iota3A, %gt3A_152 : vector<16xi32>
      %and3A_154 = arith.andi %eq3A_151, %gt3A_153 : vector<16xi1>
      %eq3A_155 = arith.cmpf oeq, %scan3A_130#0, %gather3A_148 : vector<16xf32>
      %max3A_156 = arith.maxsi %scan3A_130#1, %gather3A_149 : vector<16xi32>
      %min3A = arith.minsi %scan3A_130#1, %gather3A_150 : vector<16xi32>
      %select_n3A_157 = arith.select %eq3A_155, %min3A, %scan3A_130#1 : vector<16xi1>, vector<16xi32>
      %select_n3A_158 = arith.select %and3A_154, %max3A_156, %select_n3A_157 : vector<16xi1>, vector<16xi32>
      %add3A_159 = arith.constant 15 : i32
      %add3A_160 = vector.broadcast %add3A_159 : i32 to vector<16xi32>
      %add3A_161 = arith.addi %iota3A, %add3A_160 : vector<16xi32>
      %add3A_162 = arith.constant 17 : i32
      %add3A_163 = vector.broadcast %add3A_162 : i32 to vector<16xi32>
      %add3A_164 = arith.addi %iota3A, %add3A_163 : vector<16xi32>
      %min3A_165 = arith.constant 31 : i32
      %min3A_166 = vector.broadcast %min3A_165 : i32 to vector<16xi32>
      %min3A_167 = arith.minsi %add3A_164, %min3A_166 : vector<16xi32>
      %gather3A_168 = tpu.vector_load_idx %arg10[%add3A_161] : memref<32xf32, #tpu.memory_space<vmem>>[vector<16xi32>], vector<16xf32>,
      %gather3A_169 = tpu.vector_load_idx %arg10[%min3A_167] : memref<32xf32, #tpu.memory_space<vmem>>[vector<16xi32>], vector<16xf32>,
      %gather3A_170 = tpu.vector_load_idx %arg11[%add3A_161] : memref<32xi32, #tpu.memory_space<vmem>>[vector<16xi32>], vector<16xi32>,
      %gather3A_171 = tpu.vector_load_idx %arg11[%min3A_167] : memref<32xi32, #tpu.memory_space<vmem>>[vector<16xi32>], vector<16xi32>,
      %eq3A_172 = arith.cmpf oeq, %scan3A_130#2, %gather3A_168 : vector<16xf32>
      %eq3A_173 = arith.cmpf oeq, %scan3A_130#2, %gather3A_169 : vector<16xf32>
      %lt3A_174 = arith.constant 15 : i32
      %lt3A_175 = vector.broadcast %lt3A_174 : i32 to vector<16xi32>
      %lt3A_176 = arith.cmpi slt, %iota3A, %lt3A_175 : vector<16xi32>
      %and3A_177 = arith.andi %eq3A_173, %lt3A_176 : vector<16xi1>
      %max3A_178 = arith.maxsi %scan3A_130#3, %gather3A_170 : vector<16xi32>
      %min3A_179 = arith.minsi %scan3A_130#3, %gather3A_171 : vector<16xi32>
      %select_n3A_180 = arith.select %and3A_177, %min3A_179, %scan3A_130#3 : vector<16xi1>, vector<16xi32>
      %select_n3A_181 = arith.select %eq3A_172, %max3A_178, %select_n3A_180 : vector<16xi1>, vector<16xi32>
      %mul3A_182 = arith.constant 32 : i32
      %mul3A_183 = arith.muli %add3A_61, %mul3A_182 : i32
      %swap3A_184 = arith.index_cast %mul3A_183 : i32 to index
      %swap3A_185 = tpu.vector_load %arg9[%swap3A_184] {strides = array<i32>} : memref<4096xi32, #tpu.memory_space<vmem>>, vector<16xi32>,
      tpu.vector_store %arg9[%swap3A_184], %select_n3A_158 {strides = array<i32>} : memref<4096xi32, #tpu.memory_space<vmem>>, vector<16xi32>,
      %mul3A_186 = arith.constant 32 : i32
      %mul3A_187 = arith.muli %add3A_61, %mul3A_186 : i32
      %add3A_188 = arith.constant 16 : i32
      %add3A_189 = arith.addi %mul3A_187, %add3A_188 : i32
      %swap3A_190 = arith.index_cast %add3A_189 : i32 to index
      %swap3A_191 = tpu.vector_load %arg9[%swap3A_190] {strides = array<i32>} : memref<4096xi32, #tpu.memory_space<vmem>>, vector<16xi32>,
      tpu.vector_store %arg9[%swap3A_190], %select_n3A_181 {strides = array<i32>} : memref<4096xi32, #tpu.memory_space<vmem>>, vector<16xi32>,
    }
    %scan3A_52 = arith.constant 128 : i32
    %mul3A_53 = arith.constant 128 : i32
    %mul3A_54 = arith.muli %select_n3A_30, %mul3A_53 : i32
    %mul3A_55 = arith.constant 32 : i32
    %mul3A_56 = arith.muli %mul3A_54, %mul3A_55 : i32
    "tpu.region"() ({
      %run_scoped3A = tpu.sem_alloc : memref<!tpu.dma_semaphore, #tpu.memory_space<semaphore_mem>>
      %dma_start3A = tpu.memref_slice %arg4[%select_n3A, %mul3A_56] : memref<4x32768xi32, #tpu.memory_space<hbm>> -> memref<1x4096xi32, #tpu.memory_space<hbm>>
      %dma_start3A_57 = tpu.memref_squeeze %dma_start3A : memref<1x4096xi32, #tpu.memory_space<hbm>> -> memref<4096xi32, #tpu.memory_space<hbm>>
      %dma_start3A_58 = tpu.memref_slice %arg4[%select_n3A, %mul3A_56] : memref<4x32768xi32, #tpu.memory_space<hbm>> -> memref<1x4096xi32, #tpu.memory_space<hbm>>
      %dma_start3A_59 = tpu.memref_squeeze %dma_start3A_58 : memref<1x4096xi32, #tpu.memory_space<hbm>> -> memref<4096xi32, #tpu.memory_space<hbm>>
      tpu.enqueue_dma source(%arg9 : memref<4096xi32, #tpu.memory_space<vmem>>) target(%dma_start3A_59 : memref<4096xi32, #tpu.memory_space<hbm>>) target_semaphore(%run_scoped3A : memref<!tpu.dma_semaphore, #tpu.memory_space<semaphore_mem>>)
      %dma_wait3A = tpu.memref_slice %arg4[%select_n3A, %mul3A_56] : memref<4x32768xi32, #tpu.memory_space<hbm>> -> memref<1x4096xi32, #tpu.memory_space<hbm>>
      %dma_wait3A_60 = tpu.memref_squeeze %dma_wait3A : memref<1x4096xi32, #tpu.memory_space<hbm>> -> memref<4096xi32, #tpu.memory_space<hbm>>
      %dma_wait3A_61 = tpu.memref_slice %arg4[%select_n3A, %mul3A_56] : memref<4x32768xi32, #tpu.memory_space<hbm>> -> memref<1x4096xi32, #tpu.memory_space<hbm>>
      %dma_wait3A_62 = tpu.memref_squeeze %dma_wait3A_61 : memref<1x4096xi32, #tpu.memory_space<hbm>> -> memref<4096xi32, #tpu.memory_space<hbm>>
      tpu.wait_dma2 semaphore(%run_scoped3A : memref<!tpu.dma_semaphore, #tpu.memory_space<semaphore_mem>>) src(%arg9 : memref<4096xi32, #tpu.memory_space<vmem>>) dst(%dma_wait3A_62 : memref<4096xi32, #tpu.memory_space<hbm>>)
      tpu.yield
    }) : () -> ()
    return
  }
}

</mosaic_0001>

<sc_bundles>
// kernel: _ball_query_sc.3.cloned.1.call-start
scs
__scs_entry_jumppad:
0x0: {  	(pc) =	sbr.rel $0x88, $3  }
0x1: {  	(tag) =	ssettag $0x0;
	lr =	simm.s32 $0x1  }
0x2: {  	[smem:$0x3F9F] =	sst lr;
	_ =	strace $0xD0000000  }
0x3: {  	_ = 	snop  }
0x4: {  	_ = 	snop  }
0x5: {  	_ = 	snop  }
0x6: {  	_ = 	snop  }
0x7: {  	_ = 	snop  }
__scs_overlays_trampoline_lowered:
0x8: {  	[smem:$0x3FAE] =	sst s0  }
0x9: {  	[smem:$0x3FAF] =	sst s1  }
0xa: {  	[smem:$0x3FB0] =	sst s2  }
0xb: {  	[smem:$0x3FB1] =	sst s3  }
0xc: {  	[smem:$0x3FB2] =	sst s4  }
0xd: {  	[smem:$0x3FB3] =	sst s5  }
0xe: {  	[smem:$0x3FB4] =	sst s6  }
0xf: {  	[smem:$0x3FB5] =	sst s7  }
0x10: {  	[smem:$0x3FB6] =	sst s8  }
0x11: {  	[smem:$0x3FB7] =	sst s9;
	s0 =	simm.s32 @!p0 $0x0  }
0x12: {  	s1 =	sld [smem:$0x3F9D];
	s0 =	simm.s32 @p0 $0x1  }
0x13: {  	[smem:$0x3FB8] =	sst s0;
	s0 =	simm.s32 @!p1 $0x0  }
0x14: {  	s2 =	sld [smem:$0x3F9C];
	s0 =	simm.s32 @p1 $0x1  }
0x15: {  	[smem:$0x3FB9] =	sst s0;
	s0 =	simm.s32 @!p2 $0x0  }
0x16: {  	s3 =	sld [smem:$0x3FDB];
	s0 =	simm.s32 @p2 $0x1  }
0x17: {  	s4 =	simm.s32 $0x1BF5;
	[smem:$0x3FBB] =	sst s0  }
0x18: {  	s0 =	sld [smem:$0x3F9E];
	_ =	swait.ge [sflag:s4], $0x0  }
0x19: {  	s7 =	sld [smem:$0x3F9F]  }
0x1a: {  	s8 =	sadd.s32 $0xFFFFE003, lr  }
0x1b: {  	s9 =	sadd.s32 $0xFFFFFEF7, lr;
	s5 =	simm.s32 $0xFFFFFFFF;
	p2 =	slt.u32 s8, $0xFFFFF086  }
0x1c: {  	p1 =	slt.u32 s9, $0xF7A;
	s5 =	simm.s32 @!p2 $0x0  }
0x1d: {  	s5 =	simm.s32 @p1 $0x1;
	p0 =	seq.s32 s7, s2  }
0x1e: {  	s7 =	smul.u32 @!p0 $0xF7A, s2;
	p2 =	seq.s32 @!p0 s5, $0x0  }
0x1f: {  	s9 =	smul.u32 $0xF7A, s1;
	s8 =	simm.s32 @!p0 $0x1BF5;
	p2 =	por !p2, p0  }
0x20: {  	[sflag:s8] =	ssyncset.s32 @!p0 $0xFFFFF086;
	s6 =	sadd.s32 @!p0 s3, s7;
	s7 =	simm.s32 @!p0 $0x108  }
0x21: {  	s3 =	sadd.s32 s3, s9;
	s6 =	sadd.s32 @!p0 $0x88, s6;
	s7 =	simm.s32 @p2 $0x1082  }
0x22: {  	[simem:s7], [sflag:s8] =	dma.local @!p0 [hbm:s6], $0xF7A  }
0x23: {  	s9 =	sor.u32 $0xD0000000, s2;
	s6 =	simm.s32 $0x108;
	_ =	swait.ge @!p0 [sflag:s8], $0x0  }
0x24: {  	s3 =	sadd.s32 $0x88, s3;
	s6 =	simm.s32 @!p1 $0x1082;
	[sflag:s4] =	ssyncset.s32 $0xFFFFF086  }
0x25: {  	[simem:s6], [sflag:s4] =	dma.local [hbm:s3], $0xF7A  }
0x26: {  	[smem:$0x3F9F] =	sst s1;
	(tag) =	ssettag s2;
	_ =	strace s9  }
0x27: {  	s1 =	sld [smem:$0x3FAF]  }
0x28: {  	s2 =	sld [smem:$0x3FB0]  }
0x29: {  	s4 =	sld [smem:$0x3FB2]  }
0x2a: {  	p0 =	seq.s32 s5, $0x0;
	s5 =	sld [smem:$0x3FB3]  }
0x2b: {  	s6 =	sld [smem:$0x3FB4]  }
0x2c: {  	s7 =	sld [smem:$0x3FB5]  }
0x2d: {  	s3 =	simm.s32 $0x108;
	s8 =	sld [smem:$0x3FB6]  }
0x2e: {  	s3 =	simm.s32 @!p0 $0x1082;
	s9 =	sld [smem:$0x3FB7]  }
0x2f: {  	lr =	sadd.s32 s0, s3;
	s0 =	sld [smem:$0x3FAE]  }
0x30: {  	s3 =	sld [smem:$0x3FB1]  }
0x31: {  	[smem:$0x3FBA] =	sst s10  }
0x32: {  	s10 =	sld [smem:$0x3FB8];
	_ =	sdelay $0x3  }
0x33: {  	p0 =	seq.s32 s10, $0x1;
	s10 =	sld [smem:$0x3FBA];
	_ =	sdelay $0x3  }
0x34: {  	[smem:$0x3FBA] =	sst s10  }
0x35: {  	s10 =	sld [smem:$0x3FB9];
	_ =	sdelay $0x3  }
0x36: {  	p1 =	seq.s32 s10, $0x1;
	s10 =	sld [smem:$0x3FBA];
	_ =	sdelay $0x3  }
0x37: {  	[smem:$0x3FBA] =	sst s10  }
0x38: {  	s10 =	sld [smem:$0x3FBB]  }
0x39: {  	_ = 	snop;
	(pc) =	sbr.ind lr, $3  }
0x3a: {  	_ = 	snop  }
0x3b: {  	_ = 	snop  }
0x3c: {  	p2 =	seq.s32 s10, $0x1;
	s10 =	sld [smem:$0x3FBA]  }
0x3d: {  	_ =	shalt  }
0x3e: {  	_ =	shalt  }
0x3f: {  	_ =	shalt  }
0x40: {  	_ =	shalt  }
0x41: {  	_ =	shalt  }
0x42: {  	_ =	shalt  }
0x43: {  	_ =	shalt  }
0x44: {  	_ =	shalt  }
0x45: {  	_ =	shalt  }
0x46: {  	_ =	shalt  }
0x47: {  	_ =	shalt  }
0x48: {  	_ =	shalt  }
0x49: {  	_ =	shalt  }
0x4a: {  	_ =	shalt  }
0x4b: {  	_ =	shalt  }
0x4c: {  	_ =	shalt  }
0x4d: {  	_ =	shalt  }
0x4e: {  	_ =	shalt  }
0x4f: {  	_ =	shalt  }
0x50: {  	_ =	shalt  }
0x51: {  	_ =	shalt  }
0x52: {  	_ =	shalt  }
0x53: {  	_ =	shalt  }
0x54: {  	_ =	shalt  }
0x55: {  	_ =	shalt  }
0x56: {  	_ =	shalt  }
0x57: {  	_ =	shalt  }
0x58: {  	_ =	shalt  }
0x59: {  	_ =	shalt  }
0x5a: {  	_ =	shalt  }
0x5b: {  	_ =	shalt  }
0x5c: {  	_ =	shalt  }
0x5d: {  	_ =	shalt  }
0x5e: {  	_ =	shalt  }
0x5f: {  	_ =	shalt  }
0x60: {  	_ =	shalt  }
0x61: {  	_ =	shalt  }
0x62: {  	_ =	shalt  }
0x63: {  	_ =	shalt  }
0x64: {  	_ =	shalt  }
0x65: {  	_ =	shalt  }
0x66: {  	_ =	shalt  }
0x67: {  	_ =	shalt  }
0x68: {  	_ =	shalt  }
0x69: {  	_ =	shalt  }
0x6a: {  	_ =	shalt  }
0x6b: {  	_ =	shalt  }
0x6c: {  	_ =	shalt  }
0x6d: {  	_ =	shalt  }
0x6e: {  	_ =	shalt  }
0x6f: {  	_ =	shalt  }
0x70: {  	_ =	shalt  }
0x71: {  	_ =	shalt  }
0x72: {  	_ =	shalt  }
0x73: {  	_ =	shalt  }
0x74: {  	_ =	shalt  }
0x75: {  	_ =	shalt  }
0x76: {  	_ =	shalt  }
0x77: {  	_ =	shalt  }
0x78: {  	_ =	shalt  }
0x79: {  	_ =	shalt  }
0x7a: {  	_ =	shalt  }
0x7b: {  	_ =	shalt  }
0x7c: {  	_ =	shalt  }
0x7d: {  	_ =	shalt  }
0x7e: {  	_ =	shalt  }
0x7f: {  	_ =	shalt  }
0x80: {  	_ =	shalt  }
0x81: {  	_ =	shalt  }
0x82: {  	_ =	shalt  }
0x83: {  	_ =	shalt  }
0x84: {  	_ =	shalt  }
0x85: {  	_ =	shalt  }
0x86: {  	_ =	shalt  }
0x87: {  	_ =	shalt  }
.Lfunc_end0:
.L_simem_size_0:
called_computation_lowered:
.L_overlay_start_0:
0x88: {  	s2 =	sld [smem:$0x3FD9]  }
0x89: {  	s3 =	sld [smem:$0x3FFE];
	_ =	sdelay $0x1  }
0x8a: {  	s1 =	srdreg.scid  }
0x8b: {  	s0 =	sand.u32 $0x1, s1  }
0x8c: {  	s18 =	sshll.u32 s0, $0xA;
	s2 =	sadd.s32 s3, s2  }
0x8d: {  	s2 =	sadd.s32 s2, s18  }
0x8e: {  	[smem:$0x3FC6] =	sst s2  }
0x8f: {  	_ = 	snop  }
0x90: {  	s2 =	sld [smem:$0x3FC9]  }
0x91: {  	s19 =	sld [smem:$0x3FC8]  }
0x92: {  	s4 =	sld [smem:$0x3FD0];
	(tm) =	ssettm $0x1  }
0x93: {  	s5 =	sld [smem:$0x3FFB];
	_ =	sdelay $0x3  }
0x94: {  	_ =	strace s5  }
0x95: {  	s5 =	sld [smem:$0x3FFC];
	_ =	sdelay $0x3  }
0x96: {  	_ =	strace s5  }
0x97: {  	s5 =	sld [smem:$0x3FFD];
	_ =	sdelay $0x3  }
0x98: {  	_ =	strace s5  }
0x99: {  	_ =	strace $0x8FFFFFFF  }
0x9a: {  	s20 =	sld [smem:$0x3FDB];
	_ =	sdelay $0x1  }
0x9b: {  	s6 =	simm.s32 $_scs_section_size  }
0x9c: {  	s7 =	simm.s32 $_size__tile_overlayer_lowered;
	s8 =	simm.s32 $_tile_overlayer_lowered  }
0x9d: {  	s23 =	simm.s32 $0x1BFF;
	s22 =	sshll.u32 s8, $0x1;
	s5 =	sadd.s32 s6, s20  }
0x9e: {  	s9 =	simm.s32 $0x0;
	s21 =	sshll.u32 s7, $0x1;
	s7 =	sadd.s32 s22, s5  }
0x9f: {  	[timem:s9], [sflag:s23] =	dma.local [hbm:s7], s21  }
0xa0: {  	_ =	swait.ge [sflag:s23], s21  }
0xa1: {  	s6 =	ssub.s32 $0x0, s21;
	[sflag:s23] =	ssyncset.done $0x0  }
0xa2: {  	[sflag:s23] =	ssyncadd.s32 s6;
	_ =	sdelay $0x1  }
0xa3: {  	s24 =	simm.s32 $0x1B8B  }
0xa4: {  	_ =	swait.ge [sflag:s24], $0x1  }
0xa5: {  	[sflag:s24] =	ssyncset.done $0x0  }
0xa6: {  	s25 =	simm.s32 $0x1B8E;
	[sflag:s24] =	ssyncadd.s32 $0xFFFFFFFF  }
0xa7: {  	s26 =	simm.s32 $execute0_lowered;
	[smem:$0x3FD2] =	sst s25  }
0xa8: {  	s6 =	sshll.u32 s26, $0x1;
	_ =	strace $0x80000046;
	[dreg:$0x1] =	wrdreg $0xFFFFFFFF  }
0xa9: {  	s28 =	simm.s32 $_size_execute0_lowered;
	s5 =	sadd.s32 s5, s6;
	[dreg:$0x0] =	wrdreg $0x0  }
0xaa: {  	s6 =	sshll.u32 s28, $0x1;
	[dreg:$0x2] =	wrdreg s5  }
0xab: {  	[dreg:$0x3] =	wrdreg s6  }
0xac: {  	[dreg:$0x4] =	wrdreg $0xC0  }
0xad: {  	_ =	task [dreg:s9], $0x5FFFF  }
0xae: {  	[dreg:$0x1] =	wrdreg $0xFFFFFFFF  }
0xaf: {  	[dreg:$0x0] =	wrdreg $0x60  }
0xb0: {  	[dreg:$0x2] =	wrdreg s2  }
0xb1: {  	[dreg:$0x3] =	wrdreg s19  }
0xb2: {  	[dreg:$0x4] =	wrdreg s4  }
0xb3: {  	[dreg:$0x5] =	wrdreg $0x9  }
0xb4: {  	_ =	task.clear_ibuf [dreg:s9], $0x6FFFF;
	_ =	strace $0x90000046  }
0xb5: {  	s29 =	simm.s32 $0x9;
	_ =	strace $0x80000048  }
0xb6: {  	_ =	swait.ge [sflag:s29], $0x1  }
0xb7: {  	[sflag:s29] =	ssyncadd.s32 $0xFFFFFFFF  }
0xb8: {  	_ =	strace $0x90000048  }
0xb9: {  	_ =	sfence  }
0xba: {  	s30 =	sld [smem:$0x0];
	_ =	sdelay $0x2  }
0xbb: {  	s31 =	sshll.u32 s1, $0xD;
	s1 =	sshrl.u32 s1, $0x2  }
0xbc: {  	s3 =	sand.u32 $0x4000, s31;
	s1 =	sadd.s32 s1, s30  }
0xbd: {  	s0 =	sor.u32 s3, s0;
	s1 =	sshll.u32 s1, $0x11  }
0xbe: {  	s0 =	sor.u32 s1, s0  }
0xbf: {  	s0 =	sadd.s32 $0x8F2B, s0  }
0xc0: {  	[sflag:s0] =	ssyncadd.remote.s32 $0x1  }
0xc1: {  	_ =	sfence.sel $0xFFFF  }
0xc2: {  	[dreg:$0x0] =	wrdreg $0xFFFFFFFF;
	(pc) =	sbr.abs _section_cstart, $3  }
0xc3: {  	[dreg:$0x1] =	wrdreg $0xFFFFFFFF  }
0xc4: {  	_ =	task.clear_ibuf [dreg:s9], $0x2FFFF;
	_ =	strace $0x9FFFFFFF  }
0xc5: {  	(tm) =	ssettm $0x7FFFFFFF  }
tec
execute0_lowered:
.L_overlay_start_1:
0x0: {  	(tag) =	ssettag $0x1  }
0x1: {  	s3 =	rddreg [dreg:$0x0]  }
0x2: {  	s4 =	rddreg [dreg:$0x1]  }
0x3: {  	s7 =	rddreg [dreg:$0x2]  }
0x4: {  	s0 =	rddreg [dreg:$0x3];
	s1 =	stileid.u32  }
0x5: {  	s2 =	simm.s32 $0x0;
	s5 =	srdreg.scid;
	s11 =	simm.s32 $0x1  }
0x6: {  	s12 =	simm.s32 $0x6000;
	s13 =	simm.s32 $0x6080;
	s14 =	simm.s32 $0x6100  }
0x7: {  	s15 =	simm.s32 $0x8180;
	s16 =	simm.s32 $0x8200;
	s17 =	simm.s32 $0x7180  }
0x8: {  	v0 =	vimm.s32 $0xEDCBA987;
	v1 =	vimm.s32 $0x65432100;
	s18 =	simm.s32 $0x0;
	s6 =	sshll.u32 s1, $0x1;
	[smem:$0x7FF] =	sst s2  }
0x9: {  	v3 =	vimm.s32 $0x1C1B1A19;
	v4 =	vimm.s32 $0x1F1F1E1D;
	v5 =	vimm.s32 $0x14131211;
	s5 =	sand.u32 $0x1, s5;
	s28 =	sshll.u32 s1, $0x5;
	s6 =	sand.u32 $0x6, s6  }
0xa: {  	v6 =	vimm.s32 $0x18171615;
	vm1 =	vcmask $0x1F10;
	v7 =	vlaneseq.u32;
	s8 =	ssub.s32 $0x2, s5;
	_ =	strace $0x80000047;
	s5 =	sor.u32 s5, s6  }
0xb: {  	v0 =	vunpack.c.l.s4.s8 v0;
	v1 =	vunpack.c.l.s4.s8 v1;
	v3 =	vunpack.c.0.s8.s32 v3;
	s9 =	sshrl.u32 s8, $0x1;
	s6 =	sand.u32 $0x180, s28;
	s10 =	sshll.u32 s5, $0x9  }
0xc: {  	v4 =	vunpack.c.0.s8.s32 v4;
	v5 =	vunpack.c.0.s8.s32 v5;
	v6 =	vunpack.c.0.s8.s32 v6;
	s8 =	ssub.s32 s8, s9;
	s30 =	sshrl.u32 s6, $0x3;
	s29 =	sor.u32 s6, s10  }
0xd: {  	vm0 =	vcmask $0x3F04;
	v2 =	vunpack.c.0.s8.s32 v0;
	v0 =	vimm.f32 $0.0e+00;
	s5 =	sshll.u32 s5, $0xE;
	s3 =	sadd.s32 s3, s30;
	s9 =	sshrl.u32 s29, $0x3  }
0xe: {  	v1 =	vunpack.c.0.s8.s32 v1;
	v4 =	vsel vm1, v4, v3;
	v5 =	vsel vm1, v6, v5;
	s31 =	sor.u32 s6, s5;
	s8 =	smax.u32 s8, $0x1;
	s4 =	sadd.s32 s4, s9  }
0xf: {  	v3 =	vadd.s32 $0xF, v7;
	vm1 =	vmmov $0x7fff;
	v2 =	vand.u32 $0xF, v2;
	s10 =	simm.s32 $0x200;
	s9 =	sshrl.u32 s31, $0x3;
	s5 =	sadd.s32 $0x200, s4  }
0x10: {  	v4 =	vcombine.low v5, v4;
	v1 =	vcombine.low v1, v2;
	v2 =	vadd.s32 $0x1, v7;
	s6 =	sadd.s32 $0x400, s4;
	s7 =	sadd.s32 s7, s9;
	s9 =	simm.s32 $0x80  }
.LBB2_1:
0x11: {  	[tilespmem:s2], [sflag:$0x1] =	stream.strided.gather [hbm4b:s3+s9], $0x3000, s10, s9, $0x38;
	[tilespmem:$0x8280] =	vst v63  }
0x12: {  	_ =	swait.ge [sflag:s11], $0x3000  }
0x13: {  	[sflag:s11] =	ssyncset.done $0x0  }
0x14: {  	[sflag:s11] =	ssyncadd.s32 $0xFFFFD000  }
0x15: {  	[tilespmem:s12], [sflag:$0x1] =	stream.linear.gather [hbm4b:s4+s2], $0x80, $0x38;
	[tilespmem:$0x8280] =	vst v63  }
0x16: {  	_ =	swait.ge [sflag:s11], $0x80  }
0x17: {  	[sflag:s11] =	ssyncset.done $0x0  }
0x18: {  	[sflag:s11] =	ssyncadd.s32 $0xFFFFFF80  }
0x19: {  	[tilespmem:s13], [sflag:$0x1] =	stream.linear.gather [hbm4b:s5+s2], $0x80, $0x38;
	[tilespmem:$0x8280] =	vst v63  }
0x1a: {  	_ =	swait.ge [sflag:s11], $0x80  }
0x1b: {  	[sflag:s11] =	ssyncset.done $0x0  }
0x1c: {  	[sflag:s11] =	ssyncadd.s32 $0xFFFFFF80  }
0x1d: {  	[tilespmem:s14], [sflag:$0x1] =	stream.linear.gather [hbm4b:s6+s2], $0x80, $0x38;
	[tilespmem:$0x8280] =	vst v63  }
0x1e: {  	_ =	swait.ge [sflag:s11], $0x80  }
0x1f: {  	[sflag:s11] =	ssyncset.done $0x0  }
0x20: {  	s20 =	simm.s32 $0x0;
	[sflag:s11] =	ssyncadd.s32 $0xFFFFFF80  }
0x21: {  	v5 =	vld [tilespmem:s20+$0x0]  }
0x22: {  	v6 =	vld [tilespmem:s20+$0x1000]  }
0x23: {  	v9 =	vld [tilespmem:s20+$0x2000];
	_ =	sdelay $0x3  }
0x24: {  	s19 =	simm.s32 $0x10;
	v8 =	vmul.f32 v5, v5;
	v10 =	vmul.f32 v6, v6;
	v11 =	vshrl.u32 v5, $0x10  }
0x25: {  	v7 =	vld [tilespmem:s19+$0x0];
	v12 =	vshrl.u32 v6, $0x10;
	v13 =	vmul.f32 v9, v9;
	v14 =	vshrl.u32 v9, $0x10  }
0x26: {  	v11 =	vand.u32 $0x1, v11;
	v12 =	vand.u32 $0x1, v12;
	v10 =	vadd.f32 v10, v8;
	v8 =	vld [tilespmem:s19+$0x1000]  }
0x27: {  	v11 =	vadd.s32 v11, v5;
	v6 =	vadd.s32 v12, v6;
	v12 =	vand.u32 $0x1, v14  }
0x28: {  	v5 =	vld [tilespmem:s19+$0x2000];
	v11 =	vadd.s32 $0x7FFF, v11;
	v9 =	vadd.s32 v12, v9  }
0x29: {  	v6 =	vadd.s32 $0x7FFF, v6;
	v10 =	vadd.f32 v13, v10;
	v11 =	vand.u32 $0xFFFF0000, v11  }
0x2a: {  	v12 =	vshrl.u32 v7, $0x10;
	v9 =	vadd.s32 $0x7FFF, v9;
	v14 =	vand.u32 $0xFFFF0000, v6;
	[tilespmem:s20+$0x3000] =	vst v11  }
0x2b: {  	s21 =	simm.s32 $0x20;
	[tilespmem:s20+$0x6180] =	vst v10;
	v10 =	vmul.f32 v7, v7;
	v11 =	vshrl.u32 v8, $0x10;
	v13 =	vmul.f32 v8, v8  }
0x2c: {  	s22 =	simm.s32 $0xC0;
	v12 =	vand.u32 $0x1, v12;
	v9 =	vand.u32 $0xFFFF0000, v9;
	v6 =	vld [tilespmem:s21+$0x0];
	[tilespmem:s20+$0x4000] =	vst v14;
	v11 =	vand.u32 $0x1, v11  }
.LBB2_2:
0x2d: {  	p0 =	sne.s32 s22, $0x3FC0;
	v14 =	vld [tilespmem:s21+$0x1000];
	v10 =	vadd.f32 v13, v10;
	v13 =	vmul.f32 v5, v5;
	v15 =	vshrl.u32 v5, $0x10;
	[tilespmem:s20+$0x5000] =	vst v9;
	s20 =	smov.u32 s19;
	s19 =	smov.u32 s21  }
0x2e: {  	v7 =	vadd.s32 v12, v7;
	v8 =	vadd.s32 v11, v8;
	v9 =	vand.u32 $0x1, v15  }
.Ltmp0:
0x2f: {  	v16 =	vadd.s32 $0x7FFF, v7;
	v10 =	vadd.f32 v13, v10;
	v9 =	vadd.s32 v9, v5;
	v5 =	vld [tilespmem:s19+$0x2000];
	(pc) =	sbr.rel @p0 .LBB2_2-.Ltmp0, $4  }
0x30: {  	v11 =	vand.u32 $0xFFFF0000, v16;
	v13 =	vadd.s32 $0x7FFF, v8;
	v17 =	vadd.s32 $0x7FFF, v9  }
0x31: {  	v15 =	vand.u32 $0xFFFF0000, v13;
	v12 =	vshrl.u32 v6, $0x10;
	[tilespmem:s20+$0x6180] =	vst v10;
	v9 =	vand.u32 $0xFFFF0000, v17;
	v7 =	vmovc v6  }
0x32: {  	s21 =	sshra.s32 s22, $0x2;
	v10 =	vmul.f32 v6, v7;
	v13 =	vmul.f32 v14, v14;
	v16 =	vshrl.u32 v14, $0x10;
	[tilespmem:s20+$0x3000] =	vst v11;
	v8 =	vmovc v14  }
0x33: {  	s22 =	sadd.s32 $0x40, s22;
	v12 =	vand.u32 $0x1, v12;
	v6 =	vld [tilespmem:s21+$0x0];
	v11 =	vand.u32 $0x1, v16;
	[tilespmem:s20+$0x4000] =	vst v15  }
0x34: {  	v14 =	vld [tilespmem:s21+$0x1000];
	v10 =	vadd.f32 v13, v10;
	[tilespmem:s20+$0x5000] =	vst v9;
	v54 =	vmul.f32 v5, v5  }
0x35: {  	v55 =	vshrl.u32 v5, $0x10;
	v7 =	vadd.s32 v12, v7;
	v8 =	vadd.s32 v11, v8;
	v56 =	vld [tilespmem:s21+$0x2000]  }
0x36: {  	v57 =	vand.u32 $0x1, v55;
	v7 =	vadd.s32 $0x7FFF, v7;
	v8 =	vadd.s32 $0x7FFF, v8  }
0x37: {  	v9 =	vadd.f32 v54, v10;
	v5 =	vadd.s32 v57, v5;
	v7 =	vand.u32 $0xFFFF0000, v7  }
0x38: {  	v8 =	vand.u32 $0xFFFF0000, v8;
	v5 =	vadd.s32 $0x7FFF, v5;
	v58 =	vmul.f32 v6, v6  }
0x39: {  	v60 =	vshrl.u32 v6, $0x10;
	v5 =	vand.u32 $0xFFFF0000, v5;
	v59 =	vmul.f32 v14, v14  }
0x3a: {  	[tilespmem:s19+$0x3000] =	vst v7;
	v61 =	vshrl.u32 v14, $0x10;
	v7 =	vand.u32 $0x1, v60;
	v62 =	vmul.f32 v56, v56  }
0x3b: {  	[tilespmem:s19+$0x6180] =	vst v9;
	v9 =	vand.u32 $0x1, v61;
	v6 =	vadd.s32 v7, v6;
	v10 =	vadd.f32 v59, v58  }
0x3c: {  	[tilespmem:s19+$0x5000] =	vst v5;
	v63 =	vshrl.u32 v56, $0x10;
	v5 =	vadd.s32 v9, v14;
	v6 =	vadd.s32 $0x7FFF, v6  }
0x3d: {  	[tilespmem:s19+$0x4000] =	vst v8;
	v8 =	vand.u32 $0x1, v63;
	v6 =	vand.u32 $0xFFFF0000, v6;
	v7 =	vadd.f32 v62, v10  }
0x3e: {  	v8 =	vadd.s32 v8, v56;
	v5 =	vadd.s32 $0x7FFF, v5;
	[tilespmem:s21+$0x3000] =	vst v6  }
0x3f: {  	v5 =	vand.u32 $0xFFFF0000, v5;
	[tilespmem:s21+$0x6180] =	vst v7;
	v7 =	vadd.s32 $0x7FFF, v8  }
0x40: {  	[tilespmem:s21+$0x4000] =	vst v5;
	v6 =	vand.u32 $0xFFFF0000, v7  }
0x41: {  	s20 =	simm.s32 $0x0;
	s19 =	simm.s32 $0x0;
	[tilespmem:s21+$0x5000] =	vst v6  }
.LBB2_4:
0x42: {  	v5 =	vmov s20  }
0x43: {  	v6 =	vor.u32 $0x80, v5  }
0x44: {  	v7 =	vor.u32 $0x100, v5;
	_ =	sdelay $0x3  }
0x45: {  	v8 =	vld.idx.msk [tilespmem:v6+s12+$0x0], $0xffff  }
0x46: {  	v9 =	vld.idx.msk [tilespmem:v7+s12+$0x0], $0xffff;
	_ =	sdelay $0x1  }
0x47: {  	v10 =	vld.idx.msk [tilespmem:v5+s12+$0x0], $0xffff  }
0x48: {  	s21 =	sand.u32 $0xFF0, s19  }
0x49: {  	v11 =	vld [tilespmem:s21+$0x5000]  }
0x4a: {  	v7 =	vld [tilespmem:s21+$0x4000];
	v5 =	vshrl.u32 v8, $0x10;
	v6 =	vshrl.u32 v9, $0x10  }
0x4b: {  	s21 =	simm.s32 $0x3000;
	v5 =	vand.u32 $0x1, v5;
	v6 =	vand.u32 $0x1, v6  }
0x4c: {  	v13 =	vld [tilespmem:s21+$0x0];
	v12 =	vshrl.u32 v10, $0x10;
	v5 =	vadd.s32 v5, v8;
	v6 =	vadd.s32 v6, v9  }
0x4d: {  	v12 =	vand.u32 $0x1, v12;
	v5 =	vadd.s32 $0x7FFF, v5;
	v6 =	vadd.s32 $0x7FFF, v6  }
0x4e: {  	v12 =	vadd.s32 v12, v10;
	v5 =	vand.u32 $0xFFFF0000, v5;
	v6 =	vand.u32 $0xFFFF0000, v6  }
0x4f: {  	v12 =	vadd.s32 $0x7FFF, v12;
	v14 =	vmul.f32 v5, v7;
	v11 =	vmul.f32 v6, v11  }
0x50: {  	v7 =	vand.u32 $0xFFFF0000, v12  }
0x51: {  	v12 =	vmul.f32 v7, v13;
	v13 =	vadd.f32 v11, v14;
	_ =	sdelay $0x1  }
0x52: {  	v15 =	vadd.f32 v13, v12  }
0x53: {  	v16 =	vsub.f32 v13, v14  }
0x54: {  	v17 =	vsub.f32 v15, v12  }
0x55: {  	v18 =	vsub.f32 v13, v16  }
0x56: {  	v19 =	vsub.f32 v15, v17  }
0x57: {  	v11 =	vsub.f32 v11, v16;
	v14 =	vsub.f32 v14, v18  }
0x58: {  	v13 =	vsub.f32 v13, v17;
	v12 =	vsub.f32 v12, v19  }
0x59: {  	v10 =	vmul.f32 v10, v10  }
0x5a: {  	s22 =	simm.s32 $0x6180;
	v8 =	vmul.f32 v8, v8;
	v11 =	vadd.f32 v14, v11;
	v12 =	vadd.f32 v12, v13  }
0x5b: {  	v13 =	vld [tilespmem:s22+$0x0]  }
0x5c: {  	v9 =	vmul.f32 v9, v9;
	v8 =	vadd.f32 v8, v10;
	v10 =	vadd.f32 v12, v11;
	_ =	sdelay $0x1  }
0x5d: {  	v9 =	vadd.f32 v9, v8;
	v8 =	vadd.f32 v10, v15;
	_ =	sdelay $0x1  }
0x5e: {  	v10 =	vadd.f32 v13, v9;
	v8 =	vadd.f32 v8, v8;
	_ =	sdelay $0x1  }
0x5f: {  	v10 =	vsub.f32 v10, v8  }
0x60: {  	v8 =	vimm.f32 $+Inf  }
0x61: {  	vm2 =	vlt.f32 v10, v8  }
0x62: {  	v11 =	vsel vm2, $0x3F800000, v0  }
0x63: {  	(xrf0) =	vmax.scan.msk.f32 $0xffff, v11;
	_ =	sdelay $0x5  }
0x64: {  	v11, _, _ =	vpop (xrf0)  }
0x65: {  	(v2sf) =	vpush v11, $0xF;
	_ =	sdelay $0xe  }
0x66: {  	s23 =	spop (v2sf)  }
0x67: {  	p0 =	sgt.f32 s23, $0.0e+00;
	_ =	sdelay $0x1  }
0x68: {  	vm2 =	vlt.f32 @p0 v10, v8;
	v11 =	vlaneseq.u32 @p0  }
0x69: {  	v10 =	vnsel @p0 vm2, $0x7F800000, v10;
	v12 =	vor.u32 @p0 s19, v11  }
0x6a: {  	(xrf1) =	vsort.ascd.msk.f32 @p0 $0xffff, v10, v12;
	_ =	sdelay $0x9  }
0x6b: {  	v10 =	vmul.u32 @p0 $0xFFFFFFFF, v11;
	_ =	sdelay $0x2  }
0x6c: {  	p1 =	por $0x1, $0x1  }
.Ltmp1:
0x6d: {  	v11 =	vadd.s32 @p0 $0xF, v10;
	v10, v12, _ =	vpop @p0 (xrf1);
	(pc) =	sbr.rel @!p1 .LBB2_6-.Ltmp1, $4  }
0x6e: {  	v13 =	vperm.xlane @p0 v10, v11  }
0x6f: {  	v10 =	vimm.s32 $0x0  }
0x70: {  	v15 =	vperm.xlane @p0 v12, v11;
	v11 =	vimm.s32 $0x0;
	vm2 =	vle.f32 @p0 v8, v13  }
0x71: {  	s23 =	simm.s32 $0x10;
	v12 =	vimm.f32 $+Inf;
	v14 =	vsel @p0 vm2, v8, v13;
	v13 =	vimm.f32 $+Inf  }
.LBB2_5:
0x72: {  	s25 =	sand.u32 $0xFF0, s23;
	v15 =	vsel @p0 vm2, v10, v15;
	vm2 =	vle.f32 @p0 v8, v14;
	s24 =	smov.u32 s23  }
0x73: {  	s23 =	sadd.s32 $0x10, s23;
	v16 =	vld [tilespmem:s25+$0x4000];
	v17 =	vsel @p0 vm2, v11, v15;
	v18 =	vsel @p0 vm2, v14, v8;
	v15 =	vsel @p0 vm2, v15, v11  }
0x74: {  	p1 =	sne.s32 s23, $0x1000;
	v14 =	vsel @p0 vm2, v8, v14;
	v19 =	vld [tilespmem:s25+$0x5000];
	(xrf1) =	vsort.ascd.msk.f32 @p0 $0xffff, v18, v15  }
0x75: {  	s21 =	sadd.s32 $0x10, s21;
	(xrf1) =	vsort.ascd.msk.f32 @p0 $0xffff, v14, v17  }
0x76: {  	v14 =	vld [tilespmem:s21+$0x0];
	_ =	sdelay $0x2  }
0x77: {  	v15 =	vmul.f32 v5, v16;
	v16 =	vmul.f32 v6, v19;
	_ =	sdelay $0x1  }
0x78: {  	v14 =	vmul.f32 v7, v14;
	v17 =	vadd.f32 v16, v15;
	_ =	sdelay $0x1  }
0x79: {  	v18 =	vadd.f32 v17, v14  }
0x7a: {  	v19 =	vsub.f32 v17, v15  }
0x7b: {  	v24 =	vsub.f32 v18, v14  }
0x7c: {  	v22 =	vsub.f32 v17, v19  }
0x7d: {  	v16 =	vsub.f32 v16, v19;
	v23 =	vsub.f32 v18, v24  }
0x7e: {  	v15 =	vsub.f32 v15, v22;
	v17 =	vsub.f32 v17, v24;
	v20, v21, _ =	vpop @p0 (xrf1)  }
0x7f: {  	v14 =	vsub.f32 v14, v23;
	v12 =	vpsel p0, v20, v12;
	v10 =	vpsel p0, v21, v10;
	v19, v21, _ =	vpop @p0 (xrf1);
	(xrf0) =	vmax.scan.msk.f32 @p0 $0xffff, v20  }
0x80: {  	v8 =	vpsel p0, v19, v8;
	v11 =	vpsel p0, v21, v11  }
0x81: {  	s22 =	sadd.s32 $0x10, s22;
	v15 =	vadd.f32 v15, v16;
	v14 =	vadd.f32 v14, v17  }
0x82: {  	v16 =	vld [tilespmem:s22+$0x0]  }
0x83: {  	v14 =	vadd.f32 v14, v15;
	_ =	sdelay $0x1  }
0x84: {  	v14 =	vadd.f32 v14, v18;
	v15, _, _ =	vpop @p0 (xrf0)  }
0x85: {  	v15 =	vadd.f32 @p0 $0.0e+00, v15  }
0x86: {  	v16 =	vadd.f32 v16, v9;
	v14 =	vadd.f32 v14, v14  }
0x87: {  	v15 =	vbroadcast @p0 v15, $0xF  }
0x88: {  	v14 =	vsub.f32 v16, v14  }
0x89: {  	v13 =	vpsel p0, v15, v13  }
0x8a: {  	vm2 =	vlt.f32 v14, v13  }
0x8b: {  	v15 =	vsel vm2, $0x3F800000, v0  }
0x8c: {  	(xrf0) =	vmax.scan.msk.f32 $0xffff, v15;
	_ =	sdelay $0x5  }
0x8d: {  	v15, _, _ =	vpop (xrf0)  }
0x8e: {  	(v2sf) =	vpush v15, $0xF;
	_ =	sdelay $0xe  }
0x8f: {  	s25 =	spop (v2sf)  }
0x90: {  	p0 =	sgt.f32 s25, $0.0e+00;
	_ =	sdelay $0x1  }
0x91: {  	vm2 =	vlt.f32 @p0 v14, v13;
	v15 =	vlaneseq.u32 @p0  }
0x92: {  	v14 =	vnsel @p0 vm2, $0x7F800000, v14;
	v16 =	vor.u32 @p0 s24, v15  }
0x93: {  	(xrf1) =	vsort.ascd.msk.f32 @p0 $0xffff, v14, v16;
	_ =	sdelay $0xb  }
0x94: {  	v14 =	vmul.u32 @p0 $0xFFFFFFFF, v15;
	_ =	sdelay $0x1  }
.Ltmp2:
0x95: {  	v14 =	vadd.s32 @p0 $0xF, v14;
	v15, v16, _ =	vpop @p0 (xrf1);
	(pc) =	sbr.rel @p1 .LBB2_5-.Ltmp2, $3  }
0x96: {  	v17 =	vperm.xlane @p0 v15, v14;
	_ =	sdelay $0x1  }
0x97: {  	v15 =	vperm.xlane @p0 v16, v14;
	vm2 =	vle.f32 @p0 v12, v17  }
0x98: {  	v14 =	vsel @p0 vm2, v12, v17  }
.LBB2_6:
0x99: {  	v5 =	vsel @p0 vm2, v10, v15;
	vm2 =	vle.f32 @p0 v8, v14  }
0x9a: {  	v6 =	vsel @p0 vm2, v14, v8;
	v7 =	vsel @p0 vm2, v5, v11  }
0x9b: {  	(xrf1) =	vsort.ascd.msk.f32 @p0 $0xffff, v6, v7  }
0x9c: {  	v5 =	vsel @p0 vm2, v11, v5;
	v9 =	vsel @p0 vm2, v8, v14  }
0x9d: {  	(xrf1) =	vsort.ascd.msk.f32 @p0 $0xffff, v9, v5;
	_ =	sdelay $0xb  }
0x9e: {  	v5, v6, _ =	vpop @p0 (xrf1)  }
0x9f: {  	v56 =	vpsel p0, v5, v12  }
0xa0: {  	v7, v9, _ =	vpop @p0 (xrf1);
	v6 =	vpsel p0, v6, v10;
	[tilespmem:$0x8190] =	vst v56  }
0xa1: {  	v7 =	vpsel p0, v7, v8;
	[tilespmem:$0x8210] =	vst v6  }
0xa2: {  	v9 =	vpsel p0, v9, v11;
	[tilespmem:$0x8180] =	vst v7  }
0xa3: {  	[tilespmem:$0x8200] =	vst v9  }
0xa4: {  	v57 =	vld.idx.msk [tilespmem:v1+s15+$0x0], $0xffff  }
0xa5: {  	v58 =	vld.idx.msk [tilespmem:v2+s15+$0x0], $0xffff  }
0xa6: {  	v59 =	vld.idx.msk [tilespmem:v2+s16+$0x0], $0xffff  }
0xa7: {  	v13 =	vld.idx.msk [tilespmem:v1+s16+$0x0], $0xffff  }
0xa8: {  	v60 =	vld.idx.msk [tilespmem:v4+s15+$0x0], $0xffff  }
0xa9: {  	v61 =	vld.idx.msk [tilespmem:v4+s16+$0x0], $0xffff  }
0xaa: {  	v16 =	vld.idx.msk [tilespmem:v3+s16+$0x0], $0xffff  }
0xab: {  	v62 =	vld.idx.msk [tilespmem:v3+s15+$0x0], $0xffff;
	vm2 =	veq.f32 v7, v57;
	vm3 =	vlt.s32 v9, v59  }
0xac: {  	s21 =	sshll.u32 s20, $0x5;
	s20 =	sadd.s32 $0x1, s20;
	(xrf0) =	vmax.scan.msk.f32 @p0 $0xffff, v5;
	vm4 =	veq.f32 v7, v58;
	v5 =	vsel vm3, v9, v59;
	vm3 =	vgt.s32 v9, v13  }
0xad: {  	p1 =	sne.s32 s20, $0x80;
	vm2 =	vmand vm2, vm0;
	v7 =	vsel vm3, v9, v13;
	v5 =	vsel vm4, v5, v9  }
.Ltmp3:
0xae: {  	vm3 =	vlt.s32 v6, v61;
	v5 =	vsel vm2, v7, v5;
	vm2 =	veq.f32 v56, v60;
	(pc) =	sbr.rel @p1 .LBB2_4-.Ltmp3, $4  }
0xaf: {  	vm15 =	vgt.s32 v6, v16;
	v7 =	vsel vm3, v6, v61;
	vm2 =	vmand vm2, vm1  }
0xb0: {  	s21 =	sand.u32 $0x3FFFFFE0, s21;
	v63 =	vsel vm15, v6, v16;
	vm3 =	veq.f32 v56, v62;
	v6 =	vsel vm2, v7, v6  }
0xb1: {  	[tilespmem:s21+$0x7180] =	vst v5;
	v6 =	vsel vm3, v63, v6  }
0xb2: {  	v5, _, _ =	vpop @p0 (xrf0);
	[tilespmem:s21+$0x7190] =	vst v6  }
0xb3: {  	s18 =	sadd.s32 $0x1, s18  }
0xb4: {  	p0 =	sne.s32 s18, s8  }
.Ltmp4:
0xb5: {  	_ = 	snop;
	(pc) =	sbr.rel @p0 .LBB2_1-.Ltmp4, $4  }
0xb6: {  	[hbm4b:s7+s9] =	stream.strided.scatter [tilespmem:s17], [sflag:$0x1], $0x1000, s10, s9, $0x38;
	[tilespmem:$0x8280] =	vst v63  }
0xb7: {  	_ =	swait.ge [sflag:s11], $0x1000  }
0xb8: {  	[sflag:s11] =	ssyncset.done $0x0  }
0xb9: {  	[sflag:s11] =	ssyncadd.s32 $0xFFFFF000  }
0xba: {  	_ =	sfence.sel $0x180000  }
0xbb: {  	[bflag:$0x0] =	sbarrier.arrive $0xFFFF  }
0xbc: {  	p0 =	sne.s32 s1, $0x0;
	_ =	strace $0x90000047  }
0xbd: {  	s0 =	sadd.s32 @!p0 $0x100000, s0;
	[bflag:$0x2] =	sbarrier.arrive $0xFFFF  }
0xbe: {  	[sflag:s0] =	ssyncadd.tile.s32 @!p0 $0x1;
	_ =	shalt  }
.Lfunc_end2:
_tile_overlayer_lowered:
.L_overlay_start_2:
0xbf: {  	(tag) =	ssettag $0x2  }
0xc0: {  	s0 =	rddreg [dreg:$0x0];
	s2 =	stileid.u32  }
0xc1: {  	s1 =	rddreg [dreg:$0x1];
	p0 =	sne.s32 s2, $0x0  }
0xc2: {  	s3 =	rddreg [dreg:$0x2];
	[bflag:$0x3] =	sbarrier.arrive $0xFFFF;
	s2 =	simm.s32 @!p0 $0x1C01  }
0xc3: {  	[timem:s3], [sflag:s2] =	dma.local @!p0 [hbm:s0], s1  }
0xc4: {  	s0 =	simm.s32 @!p0 $0x1  }
0xc5: {  	_ =	swait.ge @!p0 [sflag:s0], s1  }
0xc6: {  	s1 =	ssub.s32 @!p0 $0x0, s1;
	[sflag:s0] =	ssyncset.done @!p0 $0x0  }
0xc7: {  	[sflag:s0] =	ssyncadd.s32 @!p0 s1  }
0xc8: {  	[bflag:$0x3] =	sbarrier.arrive $0xFFFF  }
0xc9: {  	_ =	shalt  }

</sc_bundles>
